<compile_context>
chip_gen: v7x
topology: tpu7x:2x2x1
jax: 0.10.2.dev20260603
libtpu: 0.0.44.dev20260713+nightly
codegen_flags: <defaults>
</compile_context>

<pallas_src>
import functools

import jax
import jax.numpy as jnp
from jax import lax
from jax.experimental import pallas as pl
from jax.experimental.pallas import tpu as pltpu
from jax.experimental.pallas import tpu_sc as plsc

SRC_VOCAB = 100000
TGT_VOCAB = 100000
D = 64
B, S_SRC, S_TGT = 32, 200, 16
N_SRC = B * S_SRC
N_TGT = B * S_TGT
V_TILE = 4096


@functools.lru_cache(maxsize=None)
def _build_gather():
    info = plsc.get_sparse_core_info()
    nc, ns = info.num_cores, info.num_subcores
    nw = nc * ns
    spw = N_SRC // nw
    tpw = N_TGT // nw
    c0, c1 = 104, spw - 104

    mesh = plsc.VectorSubcoreMesh(core_axis_name="c", subcore_axis_name="s")

    @functools.partial(
        pl.kernel,
        mesh=mesh,
        out_type=[
            jax.ShapeDtypeStruct((N_SRC, D), jnp.float32),
            jax.ShapeDtypeStruct((N_TGT, D), jnp.float32),
        ],
        scratch_types=[
            pltpu.VMEM((spw,), jnp.int32),
            pltpu.VMEM((spw, D), jnp.float32),
            pltpu.VMEM((tpw,), jnp.int32),
            pltpu.VMEM((tpw, D), jnp.float32),
            pltpu.SemaphoreType.DMA,
        ],
        compiler_params=pltpu.CompilerParams(use_tc_tiling_on_sc=False),
    )
    def gather(src_gidx, tgt_gidx, src_tab3, tgt_tab3, src_out, tgt_out,
               sidx, srows, tidx, trows, sem):
        wid = lax.axis_index("s") * nc + lax.axis_index("c")
        sbase = wid * spw
        tbase = wid * tpw
        pltpu.sync_copy(src_gidx.at[pl.ds(sbase, spw)], sidx)
        pltpu.sync_copy(tgt_gidx.at[pl.ds(tbase, tpw)], tidx)
        g0 = pltpu.async_copy(src_tab3.at[sidx.at[pl.ds(0, c0)]],
                              srows.at[pl.ds(0, c0)], sem)
        g1 = pltpu.async_copy(src_tab3.at[sidx.at[pl.ds(c0, c1)]],
                              srows.at[pl.ds(c0, c1)], sem)
        g2 = pltpu.async_copy(tgt_tab3.at[tidx], trows, sem)
        g0.wait()
        g1.wait()
        g2.wait()
        pltpu.sync_copy(srows, src_out.at[pl.ds(sbase, spw)])
        pltpu.sync_copy(trows, tgt_out.at[pl.ds(tbase, tpw)])

    return gather


def _attn_body(se_ref, te_ref, out_ref):
    for b in range(B):
        se_b = se_ref[b]
        te_b = te_ref[b]
        s = lax.dot_general(te_b, se_b, (((1,), (1,)), ((), ())),
                            preferred_element_type=jnp.float32) * 0.125
        s = s - jnp.max(s, axis=1, keepdims=True)
        e = jnp.exp(s)
        a = e / jnp.sum(e, axis=1, keepdims=True)
        o = lax.dot_general(a, se_b, (((1,), (0,)), ((), ())),
                            preferred_element_type=jnp.float32)
        out_ref[:, b, :] = o


def _proj_body(a_ref, w_ref, b_ref, out_ref):
    out = lax.dot_general(a_ref[...], w_ref[...], (((1,), (1,)), ((), ())),
                          preferred_element_type=jnp.float32)
    out_ref[...] = out.reshape(S_TGT, B, -1) + b_ref[...]


def kernel(src, tgt, src_table, tgt_table, W_pred, b_pred):
    src_i = src.reshape(-1).astype(jnp.int32)
    tgt_i = tgt.reshape(-1).astype(jnp.int32)
    se_flat, te_flat = _build_gather()(src_i, tgt_i, src_table, tgt_table)
    se = se_flat.reshape(B, S_SRC, D)
    te = te_flat.reshape(B, S_TGT, D)
    ctx = pl.pallas_call(
        _attn_body,
        out_shape=jax.ShapeDtypeStruct((S_TGT, B, D), jnp.float32),
    )(se, te)
    return ctx

# --- scband reference (transcript-rebuilt; emitter-appended) ---
"""Pipeline reference for scband-seq2-seq-46445776339348 (READ-ONLY COPY).

The authoritative reference and input builder live on the scoring server;
editing this copy changes nothing except your own understanding.
"""

import jax, jax.numpy as jnp
import numpy as np

SRC_VOCAB = 100000
TGT_VOCAB = 100000
EMBED = 64
B, S_SRC, S_TGT = 32, 200, 16


def setup_inputs(seed: int = 0) -> dict:
    key = jax.random.key(seed)
    ks = jax.random.split(key, 6)
    src = jax.random.randint(ks[0], (B, S_SRC), 0, SRC_VOCAB)
    tgt = jax.random.randint(ks[1], (B, S_TGT), 0, TGT_VOCAB)
    src_table = jax.random.normal(ks[2], (SRC_VOCAB, EMBED), dtype=jnp.float32) * 0.02
    src_table = src_table.at[0].set(0.0)  # padding_idx row
    tgt_table = jax.random.normal(ks[3], (TGT_VOCAB, EMBED), dtype=jnp.float32) * 0.02
    tgt_table = tgt_table.at[0].set(0.0)  # padding_idx row
    W_pred = jax.random.normal(ks[4], (TGT_VOCAB, EMBED), dtype=jnp.float32) * 0.02
    b_pred = jnp.zeros((TGT_VOCAB,), dtype=jnp.float32)
    return {"src": src, "tgt": tgt, "src_table": src_table, "tgt_table": tgt_table, "W_pred": W_pred, "b_pred": b_pred}


def reference(src, tgt, src_table, tgt_table, W_pred, b_pred):
    # Embedding lookups (nn.Embedding -> jnp.take on table rows)
    src_embedding = jnp.take(src_table, src, axis=0)   # [B, S_src, D]
    tgt_embedding = jnp.take(tgt_table, tgt, axis=0)   # [B, S_tgt, D]
    # transpose(0, 1) as in the torch forward: -> [S, B, D]
    se = jnp.transpose(src_embedding, (1, 0, 2))       # [S_src, B, D]
    te = jnp.transpose(tgt_embedding, (1, 0, 2))       # [S_tgt, B, D]
    # self.model: the torch code leaves it as an injected encoder-decoder;
    # we instantiate it as a parameter-free cross-attention decoder pass
    # mapping (src_stream, tgt_stream) -> [S_tgt, B, D]
    d = se.shape[-1]
    scores = jnp.einsum('tbd,sbd->bts', te, se) / jnp.sqrt(jnp.float32(d))  # [B, S_tgt, S_src]
    attn = jax.nn.softmax(scores, axis=-1)
    outputs = jnp.einsum('bts,sbd->tbd', attn, se)     # [S_tgt, B, D]
    # pred_layer: Linear(D -> tgt_vocab)
    logits = outputs @ W_pred.T + b_pred               # [S_tgt, B, TGT_VOCAB]
    return logits

if __name__ == "__main__":
    import jax
    _d = setup_inputs()
    print(jax.jit(kernel)(*tuple(_d.values())))

</pallas_src>

<mosaic_0001>
#map = affine_map<(d0, d1) -> (0)>
#map1 = affine_map<(d0, d1) -> (0, 0)>
module attributes {stable_mosaic.version = 14 : i64} {
  func.func @gather(%arg0: i32, %arg1: i32, %arg2: memref<6400xi32, #tpu.memory_space<hbm>>, %arg3: memref<512xi32, #tpu.memory_space<hbm>>, %arg4: memref<100000x64xf32, #tpu.memory_space<hbm>>, %arg5: memref<100000x64xf32, #tpu.memory_space<hbm>>, %arg6: memref<6400x64xf32, #tpu.memory_space<hbm>>, %arg7: memref<512x64xf32, #tpu.memory_space<hbm>>, %arg8: memref<200xi32, #tpu.memory_space<vmem>>, %arg9: memref<200x64xf32, #tpu.memory_space<vmem>>, %arg10: memref<16xi32, #tpu.memory_space<vmem>>, %arg11: memref<16x64xf32, #tpu.memory_space<vmem>>, %arg12: memref<!tpu.dma_semaphore, #tpu.memory_space<semaphore_mem>>) attributes {dimension_semantics = [#tpu.dimension_semantics<core_parallel>, #tpu.dimension_semantics<subcore_parallel>], iteration_bounds = array<i64: 2, 16>, scalar_prefetch = 0 : i64, scratch_operands = 5 : i64, tpu.core_type = #tpu.core_type<sc_vector_subcore>, window_params = [{transform_indices = #map}, {transform_indices = #map}, {transform_indices = #map1}, {transform_indices = #map1}, {transform_indices = #map1}, {transform_indices = #map1}]} {
    %mul3A = arith.constant 2 : i32
    %mul3A_0 = arith.muli %arg1, %mul3A : i32
    %add3A = arith.addi %mul3A_0, %arg0 : i32
    %mul3A_1 = arith.constant 200 : i32
    %mul3A_2 = arith.muli %add3A, %mul3A_1 : i32
    %mul3A_3 = arith.constant 16 : i32
    %mul3A_4 = arith.muli %add3A, %mul3A_3 : i32
    "tpu.region"() ({
      %run_scoped3A = tpu.sem_alloc : memref<!tpu.dma_semaphore, #tpu.memory_space<semaphore_mem>>
      %dma_start3A_41 = tpu.memref_slice %arg2[%mul3A_2] : memref<6400xi32, #tpu.memory_space<hbm>> -> memref<200xi32, #tpu.memory_space<hbm>>
      %dma_start3A_42 = tpu.memref_slice %arg2[%mul3A_2] : memref<6400xi32, #tpu.memory_space<hbm>> -> memref<200xi32, #tpu.memory_space<hbm>>
      tpu.enqueue_dma source(%dma_start3A_42 : memref<200xi32, #tpu.memory_space<hbm>>) target(%arg8 : memref<200xi32, #tpu.memory_space<vmem>>) target_semaphore(%run_scoped3A : memref<!tpu.dma_semaphore, #tpu.memory_space<semaphore_mem>>)
      %dma_wait3A_43 = tpu.memref_slice %arg2[%mul3A_2] : memref<6400xi32, #tpu.memory_space<hbm>> -> memref<200xi32, #tpu.memory_space<hbm>>
      %dma_wait3A_44 = tpu.memref_slice %arg2[%mul3A_2] : memref<6400xi32, #tpu.memory_space<hbm>> -> memref<200xi32, #tpu.memory_space<hbm>>
      tpu.wait_dma2 semaphore(%run_scoped3A : memref<!tpu.dma_semaphore, #tpu.memory_space<semaphore_mem>>) src(%dma_wait3A_44 : memref<200xi32, #tpu.memory_space<hbm>>) dst(%arg8 : memref<200xi32, #tpu.memory_space<vmem>>)
      tpu.yield
    }) : () -> ()
    "tpu.region"() ({
      %run_scoped3A = tpu.sem_alloc : memref<!tpu.dma_semaphore, #tpu.memory_space<semaphore_mem>>
      %dma_start3A_41 = tpu.memref_slice %arg3[%mul3A_4] : memref<512xi32, #tpu.memory_space<hbm>> -> memref<16xi32, #tpu.memory_space<hbm>>
      %dma_start3A_42 = tpu.memref_slice %arg3[%mul3A_4] : memref<512xi32, #tpu.memory_space<hbm>> -> memref<16xi32, #tpu.memory_space<hbm>>
      tpu.enqueue_dma source(%dma_start3A_42 : memref<16xi32, #tpu.memory_space<hbm>>) target(%arg10 : memref<16xi32, #tpu.memory_space<vmem>>) target_semaphore(%run_scoped3A : memref<!tpu.dma_semaphore, #tpu.memory_space<semaphore_mem>>)
      %dma_wait3A_43 = tpu.memref_slice %arg3[%mul3A_4] : memref<512xi32, #tpu.memory_space<hbm>> -> memref<16xi32, #tpu.memory_space<hbm>>
      %dma_wait3A_44 = tpu.memref_slice %arg3[%mul3A_4] : memref<512xi32, #tpu.memory_space<hbm>> -> memref<16xi32, #tpu.memory_space<hbm>>
      tpu.wait_dma2 semaphore(%run_scoped3A : memref<!tpu.dma_semaphore, #tpu.memory_space<semaphore_mem>>) src(%dma_wait3A_44 : memref<16xi32, #tpu.memory_space<hbm>>) dst(%arg10 : memref<16xi32, #tpu.memory_space<vmem>>)
      tpu.yield
    }) : () -> ()
    %dma_start3A = arith.constant 0 : i32
    %dma_start3A_5 = arith.constant 0 : i32
    %dma_start3A_6 = tpu.memref_slice %arg9[%dma_start3A, %dma_start3A_5] : memref<200x64xf32, #tpu.memory_space<vmem>> -> memref<104x64xf32, #tpu.memory_space<vmem>>
    %dma_start3A_7 = arith.constant 0 : i32
    %dma_start3A_8 = tpu.memref_slice %arg8[%dma_start3A_7] : memref<200xi32, #tpu.memory_space<vmem>> -> memref<104xi32, #tpu.memory_space<vmem>>
    %dma_start3A_9 = arith.constant 0 : i32
    %dma_start3A_10 = arith.constant 0 : i32
    %dma_start3A_11 = tpu.memref_slice %arg4[%dma_start3A_9, %dma_start3A_10] : memref<100000x64xf32, #tpu.memory_space<hbm>> -> memref<100000x64xf32, #tpu.memory_space<hbm>>
    tpu.enqueue_indirect_dma source(%dma_start3A_11 : memref<100000x64xf32, #tpu.memory_space<hbm>>) target(%dma_start3A_6 : memref<104x64xf32, #tpu.memory_space<vmem>>) offsets(%dma_start3A_8 : memref<104xi32, #tpu.memory_space<vmem>>) semaphore(%arg12 : memref<!tpu.dma_semaphore, #tpu.memory_space<semaphore_mem>>)
    %dma_start3A_12 = arith.constant 104 : i32
    %dma_start3A_13 = arith.constant 0 : i32
    %dma_start3A_14 = tpu.memref_slice %arg9[%dma_start3A_12, %dma_start3A_13] : memref<200x64xf32, #tpu.memory_space<vmem>> -> memref<96x64xf32, #tpu.memory_space<vmem>>
    %dma_start3A_15 = arith.constant 104 : i32
    %dma_start3A_16 = tpu.memref_slice %arg8[%dma_start3A_15] : memref<200xi32, #tpu.memory_space<vmem>> -> memref<96xi32, #tpu.memory_space<vmem>>
    %dma_start3A_17 = arith.constant 0 : i32
    %dma_start3A_18 = arith.constant 0 : i32
    %dma_start3A_19 = tpu.memref_slice %arg4[%dma_start3A_17, %dma_start3A_18] : memref<100000x64xf32, #tpu.memory_space<hbm>> -> memref<100000x64xf32, #tpu.memory_space<hbm>>
    tpu.enqueue_indirect_dma source(%dma_start3A_19 : memref<100000x64xf32, #tpu.memory_space<hbm>>) target(%dma_start3A_14 : memref<96x64xf32, #tpu.memory_space<vmem>>) offsets(%dma_start3A_16 : memref<96xi32, #tpu.memory_space<vmem>>) semaphore(%arg12 : memref<!tpu.dma_semaphore, #tpu.memory_space<semaphore_mem>>)
    %dma_start3A_20 = arith.constant 0 : i32
    %dma_start3A_21 = arith.constant 0 : i32
    %dma_start3A_22 = tpu.memref_slice %arg5[%dma_start3A_20, %dma_start3A_21] : memref<100000x64xf32, #tpu.memory_space<hbm>> -> memref<100000x64xf32, #tpu.memory_space<hbm>>
    tpu.enqueue_indirect_dma source(%dma_start3A_22 : memref<100000x64xf32, #tpu.memory_space<hbm>>) target(%arg11 : memref<16x64xf32, #tpu.memory_space<vmem>>) offsets(%arg10 : memref<16xi32, #tpu.memory_space<vmem>>) semaphore(%arg12 : memref<!tpu.dma_semaphore, #tpu.memory_space<semaphore_mem>>)
    %dma_wait3A = arith.constant 0 : i32
    %dma_wait3A_23 = arith.constant 0 : i32
    %dma_wait3A_24 = tpu.memref_slice %arg9[%dma_wait3A, %dma_wait3A_23] : memref<200x64xf32, #tpu.memory_space<vmem>> -> memref<104x64xf32, #tpu.memory_space<vmem>>
    %dma_wait3A_25 = arith.constant 0 : i32
    %dma_wait3A_26 = tpu.memref_slice %arg8[%dma_wait3A_25] : memref<200xi32, #tpu.memory_space<vmem>> -> memref<104xi32, #tpu.memory_space<vmem>>
    %dma_wait3A_27 = arith.constant 0 : i32
    %dma_wait3A_28 = arith.constant 0 : i32
    %dma_wait3A_29 = tpu.memref_slice %arg4[%dma_wait3A_27, %dma_wait3A_28] : memref<100000x64xf32, #tpu.memory_space<hbm>> -> memref<100000x64xf32, #tpu.memory_space<hbm>>
    tpu.wait_indirect_dma semaphore(%arg12 : memref<!tpu.dma_semaphore, #tpu.memory_space<semaphore_mem>>) src(%dma_wait3A_29 : memref<100000x64xf32, #tpu.memory_space<hbm>>) dst(%dma_wait3A_24 : memref<104x64xf32, #tpu.memory_space<vmem>>)
    %dma_wait3A_30 = arith.constant 104 : i32
    %dma_wait3A_31 = arith.constant 0 : i32
    %dma_wait3A_32 = tpu.memref_slice %arg9[%dma_wait3A_30, %dma_wait3A_31] : memref<200x64xf32, #tpu.memory_space<vmem>> -> memref<96x64xf32, #tpu.memory_space<vmem>>
    %dma_wait3A_33 = arith.constant 104 : i32
    %dma_wait3A_34 = tpu.memref_slice %arg8[%dma_wait3A_33] : memref<200xi32, #tpu.memory_space<vmem>> -> memref<96xi32, #tpu.memory_space<vmem>>
    %dma_wait3A_35 = arith.constant 0 : i32
    %dma_wait3A_36 = arith.constant 0 : i32
    %dma_wait3A_37 = tpu.memref_slice %arg4[%dma_wait3A_35, %dma_wait3A_36] : memref<100000x64xf32, #tpu.memory_space<hbm>> -> memref<100000x64xf32, #tpu.memory_space<hbm>>
    tpu.wait_indirect_dma semaphore(%arg12 : memref<!tpu.dma_semaphore, #tpu.memory_space<semaphore_mem>>) src(%dma_wait3A_37 : memref<100000x64xf32, #tpu.memory_space<hbm>>) dst(%dma_wait3A_32 : memref<96x64xf32, #tpu.memory_space<vmem>>)
    %dma_wait3A_38 = arith.constant 0 : i32
    %dma_wait3A_39 = arith.constant 0 : i32
    %dma_wait3A_40 = tpu.memref_slice %arg5[%dma_wait3A_38, %dma_wait3A_39] : memref<100000x64xf32, #tpu.memory_space<hbm>> -> memref<100000x64xf32, #tpu.memory_space<hbm>>
    tpu.wait_indirect_dma semaphore(%arg12 : memref<!tpu.dma_semaphore, #tpu.memory_space<semaphore_mem>>) src(%dma_wait3A_40 : memref<100000x64xf32, #tpu.memory_space<hbm>>) dst(%arg11 : memref<16x64xf32, #tpu.memory_space<vmem>>)
    "tpu.region"() ({
      %run_scoped3A = tpu.sem_alloc : memref<!tpu.dma_semaphore, #tpu.memory_space<semaphore_mem>>
      %dma_start3A_41 = arith.constant 0 : i32
      %dma_start3A_42 = tpu.memref_slice %arg6[%mul3A_2, %dma_start3A_41] : memref<6400x64xf32, #tpu.memory_space<hbm>> -> memref<200x64xf32, #tpu.memory_space<hbm>>
      %dma_start3A_43 = arith.constant 0 : i32
      %dma_start3A_44 = tpu.memref_slice %arg6[%mul3A_2, %dma_start3A_43] : memref<6400x64xf32, #tpu.memory_space<hbm>> -> memref<200x64xf32, #tpu.memory_space<hbm>>
      tpu.enqueue_dma source(%arg9 : memref<200x64xf32, #tpu.memory_space<vmem>>) target(%dma_start3A_44 : memref<200x64xf32, #tpu.memory_space<hbm>>) target_semaphore(%run_scoped3A : memref<!tpu.dma_semaphore, #tpu.memory_space<semaphore_mem>>)
      %dma_wait3A_45 = arith.constant 0 : i32
      %dma_wait3A_46 = tpu.memref_slice %arg6[%mul3A_2, %dma_wait3A_45] : memref<6400x64xf32, #tpu.memory_space<hbm>> -> memref<200x64xf32, #tpu.memory_space<hbm>>
      %dma_wait3A_47 = arith.constant 0 : i32
      %dma_wait3A_48 = tpu.memref_slice %arg6[%mul3A_2, %dma_wait3A_47] : memref<6400x64xf32, #tpu.memory_space<hbm>> -> memref<200x64xf32, #tpu.memory_space<hbm>>
      tpu.wait_dma2 semaphore(%run_scoped3A : memref<!tpu.dma_semaphore, #tpu.memory_space<semaphore_mem>>) src(%arg9 : memref<200x64xf32, #tpu.memory_space<vmem>>) dst(%dma_wait3A_48 : memref<200x64xf32, #tpu.memory_space<hbm>>)
      tpu.yield
    }) : () -> ()
    "tpu.region"() ({
      %run_scoped3A = tpu.sem_alloc : memref<!tpu.dma_semaphore, #tpu.memory_space<semaphore_mem>>
      %dma_start3A_41 = arith.constant 0 : i32
      %dma_start3A_42 = tpu.memref_slice %arg7[%mul3A_4, %dma_start3A_41] : memref<512x64xf32, #tpu.memory_space<hbm>> -> memref<16x64xf32, #tpu.memory_space<hbm>>
      %dma_start3A_43 = arith.constant 0 : i32
      %dma_start3A_44 = tpu.memref_slice %arg7[%mul3A_4, %dma_start3A_43] : memref<512x64xf32, #tpu.memory_space<hbm>> -> memref<16x64xf32, #tpu.memory_space<hbm>>
      tpu.enqueue_dma source(%arg11 : memref<16x64xf32, #tpu.memory_space<vmem>>) target(%dma_start3A_44 : memref<16x64xf32, #tpu.memory_space<hbm>>) target_semaphore(%run_scoped3A : memref<!tpu.dma_semaphore, #tpu.memory_space<semaphore_mem>>)
      %dma_wait3A_45 = arith.constant 0 : i32
      %dma_wait3A_46 = tpu.memref_slice %arg7[%mul3A_4, %dma_wait3A_45] : memref<512x64xf32, #tpu.memory_space<hbm>> -> memref<16x64xf32, #tpu.memory_space<hbm>>
      %dma_wait3A_47 = arith.constant 0 : i32
      %dma_wait3A_48 = tpu.memref_slice %arg7[%mul3A_4, %dma_wait3A_47] : memref<512x64xf32, #tpu.memory_space<hbm>> -> memref<16x64xf32, #tpu.memory_space<hbm>>
      tpu.wait_dma2 semaphore(%run_scoped3A : memref<!tpu.dma_semaphore, #tpu.memory_space<semaphore_mem>>) src(%arg11 : memref<16x64xf32, #tpu.memory_space<vmem>>) dst(%dma_wait3A_48 : memref<16x64xf32, #tpu.memory_space<hbm>>)
      tpu.yield
    }) : () -> ()
    return
  }
}

module attributes {stable_mosaic.version = 14 : i64} {
  func.func @_attn_body(%arg0: memref<32x200x64xf32, #tpu.memory_space<vmem>>, %arg1: memref<32x16x64xf32, #tpu.memory_space<vmem>>, %arg2: memref<16x32x64xf32, #tpu.memory_space<vmem>>) attributes {dimension_semantics = [], scalar_prefetch = 0 : i64, scratch_operands = 0 : i64, tpu.core_type = #tpu.core_type<tc>} {
    %get3A = arith.constant 0 : index
    %get3A_0 = arith.constant 0 : index
    %get3A_1 = arith.constant 0 : index
    %get3A_2 = vector.load %arg0[%get3A, %get3A_0, %get3A_1] : memref<32x200x64xf32, #tpu.memory_space<vmem>>, vector<1x200x64xf32>
    %get3A_3 = vector.shape_cast %get3A_2 : vector<1x200x64xf32> to vector<200x64xf32>
    %get3A_4 = arith.constant 0 : index
    %get3A_5 = arith.constant 0 : index
    %get3A_6 = arith.constant 0 : index
    %get3A_7 = vector.load %arg1[%get3A_4, %get3A_5, %get3A_6] : memref<32x16x64xf32, #tpu.memory_space<vmem>>, vector<1x16x64xf32>
    %get3A_8 = vector.shape_cast %get3A_7 : vector<1x16x64xf32> to vector<16x64xf32>
    %dot_general3A = arith.constant dense<0.000000e+00> : vector<16x200xf32>
    %dot_general3A_9 = tpu.matmul %get3A_8, %get3A_3, %dot_general3A {dimension_numbers = #tpu.dot_dimension_numbers<[1], [1], [0], [0], [0, 0, 1, 0], [], []>, transpose_lhs_hint = false} : vector<16x64xf32>, vector<200x64xf32>, vector<16x200xf32> -> vector<16x200xf32>
    %mul3A = arith.constant 1.250000e-01 : f32
    %mul3A_10 = vector.broadcast %mul3A : f32 to vector<16x200xf32>
    %mul3A_11 = arith.mulf %dot_general3A_9, %mul3A_10 : vector<16x200xf32>
    %reduce_max3A = arith.constant dense<0xFF800000> : vector<16xf32>
    %reduce_max3A_12 = vector.multi_reduction <maximumf>, %mul3A_11, %reduce_max3A [1] : vector<16x200xf32> to vector<16xf32>
    %broadcast_in_dim3A = vector.shape_cast %reduce_max3A_12 : vector<16xf32> to vector<16x1xf32>
    %sub3A = vector.broadcast %broadcast_in_dim3A : vector<16x1xf32> to vector<16x200xf32>
    %sub3A_13 = arith.subf %mul3A_11, %sub3A : vector<16x200xf32>
    %exp3A = math.exp %sub3A_13 : vector<16x200xf32>
    %reduce_sum3A = arith.constant dense<0.000000e+00> : vector<16xf32>
    %reduce_sum3A_14 = vector.multi_reduction <add>, %exp3A, %reduce_sum3A [1] : vector<16x200xf32> to vector<16xf32>
    %broadcast_in_dim3A_15 = vector.shape_cast %reduce_sum3A_14 : vector<16xf32> to vector<16x1xf32>
    %div3A = vector.broadcast %broadcast_in_dim3A_15 : vector<16x1xf32> to vector<16x200xf32>
    %div3A_16 = arith.divf %exp3A, %div3A : vector<16x200xf32>
    %dot_general3A_17 = arith.constant dense<0.000000e+00> : vector<16x64xf32>
    %dot_general3A_18 = tpu.matmul %div3A_16, %get3A_3, %dot_general3A_17 {dimension_numbers = #tpu.dot_dimension_numbers<[1], [0], [0], [1], [0, 0, 1, 1], [], []>, transpose_lhs_hint = false} : vector<16x200xf32>, vector<200x64xf32>, vector<16x64xf32> -> vector<16x64xf32>
    %swap3A = arith.constant 0 : index
    %swap3A_19 = arith.constant 0 : index
    %swap3A_20 = arith.constant 0 : index
    %swap3A_21 = vector.load %arg2[%swap3A, %swap3A_19, %swap3A_20] : memref<16x32x64xf32, #tpu.memory_space<vmem>>, vector<16x1x64xf32>
    %swap3A_22 = vector.shape_cast %swap3A_21 : vector<16x1x64xf32> to vector<16x64xf32>
    %swap3A_23 = vector.shape_cast %dot_general3A_18 : vector<16x64xf32> to vector<16x1x64xf32>
    tpu.vector_store %arg2[%swap3A, %swap3A_19, %swap3A_20], %swap3A_23 {strides = array<i32>} : memref<16x32x64xf32, #tpu.memory_space<vmem>>, vector<16x1x64xf32>,
    %get3A_24 = arith.constant 1 : index
    %get3A_25 = arith.constant 0 : index
    %get3A_26 = arith.constant 0 : index
    %get3A_27 = vector.load %arg0[%get3A_24, %get3A_25, %get3A_26] : memref<32x200x64xf32, #tpu.memory_space<vmem>>, vector<1x200x64xf32>
    %get3A_28 = vector.shape_cast %get3A_27 : vector<1x200x64xf32> to vector<200x64xf32>
    %get3A_29 = arith.constant 1 : index
    %get3A_30 = arith.constant 0 : index
    %get3A_31 = arith.constant 0 : index
    %get3A_32 = vector.load %arg1[%get3A_29, %get3A_30, %get3A_31] : memref<32x16x64xf32, #tpu.memory_space<vmem>>, vector<1x16x64xf32>
    %get3A_33 = vector.shape_cast %get3A_32 : vector<1x16x64xf32> to vector<16x64xf32>
    %dot_general3A_34 = arith.constant dense<0.000000e+00> : vector<16x200xf32>
    %dot_general3A_35 = tpu.matmul %get3A_33, %get3A_28, %dot_general3A_34 {dimension_numbers = #tpu.dot_dimension_numbers<[1], [1], [0], [0], [0, 0, 1, 0], [], []>, transpose_lhs_hint = false} : vector<16x64xf32>, vector<200x64xf32>, vector<16x200xf32> -> vector<16x200xf32>
    %mul3A_36 = arith.constant 1.250000e-01 : f32
    %mul3A_37 = vector.broadcast %mul3A_36 : f32 to vector<16x200xf32>
    %mul3A_38 = arith.mulf %dot_general3A_35, %mul3A_37 : vector<16x200xf32>
    %reduce_max3A_39 = arith.constant dense<0xFF800000> : vector<16xf32>
    %reduce_max3A_40 = vector.multi_reduction <maximumf>, %mul3A_38, %reduce_max3A_39 [1] : vector<16x200xf32> to vector<16xf32>
    %broadcast_in_dim3A_41 = vector.shape_cast %reduce_max3A_40 : vector<16xf32> to vector<16x1xf32>
    %sub3A_42 = vector.broadcast %broadcast_in_dim3A_41 : vector<16x1xf32> to vector<16x200xf32>
    %sub3A_43 = arith.subf %mul3A_38, %sub3A_42 : vector<16x200xf32>
    %exp3A_44 = math.exp %sub3A_43 : vector<16x200xf32>
    %reduce_sum3A_45 = arith.constant dense<0.000000e+00> : vector<16xf32>
    %reduce_sum3A_46 = vector.multi_reduction <add>, %exp3A_44, %reduce_sum3A_45 [1] : vector<16x200xf32> to vector<16xf32>
    %broadcast_in_dim3A_47 = vector.shape_cast %reduce_sum3A_46 : vector<16xf32> to vector<16x1xf32>
    %div3A_48 = vector.broadcast %broadcast_in_dim3A_47 : vector<16x1xf32> to vector<16x200xf32>
    %div3A_49 = arith.divf %exp3A_44, %div3A_48 : vector<16x200xf32>
    %dot_general3A_50 = arith.constant dense<0.000000e+00> : vector<16x64xf32>
    %dot_general3A_51 = tpu.matmul %div3A_49, %get3A_28, %dot_general3A_50 {dimension_numbers = #tpu.dot_dimension_numbers<[1], [0], [0], [1], [0, 0, 1, 1], [], []>, transpose_lhs_hint = false} : vector<16x200xf32>, vector<200x64xf32>, vector<16x64xf32> -> vector<16x64xf32>
    %swap3A_52 = arith.constant 0 : index
    %swap3A_53 = arith.constant 1 : index
    %swap3A_54 = arith.constant 0 : index
    %swap3A_55 = vector.load %arg2[%swap3A_52, %swap3A_53, %swap3A_54] : memref<16x32x64xf32, #tpu.memory_space<vmem>>, vector<16x1x64xf32>
    %swap3A_56 = vector.shape_cast %swap3A_55 : vector<16x1x64xf32> to vector<16x64xf32>
    %swap3A_57 = vector.shape_cast %dot_general3A_51 : vector<16x64xf32> to vector<16x1x64xf32>
    tpu.vector_store %arg2[%swap3A_52, %swap3A_53, %swap3A_54], %swap3A_57 {strides = array<i32>} : memref<16x32x64xf32, #tpu.memory_space<vmem>>, vector<16x1x64xf32>,
    %get3A_58 = arith.constant 2 : index
    %get3A_59 = arith.constant 0 : index
    %get3A_60 = arith.constant 0 : index
    %get3A_61 = vector.load %arg0[%get3A_58, %get3A_59, %get3A_60] : memref<32x200x64xf32, #tpu.memory_space<vmem>>, vector<1x200x64xf32>
    %get3A_62 = vector.shape_cast %get3A_61 : vector<1x200x64xf32> to vector<200x64xf32>
    %get3A_63 = arith.constant 2 : index
    %get3A_64 = arith.constant 0 : index
    %get3A_65 = arith.constant 0 : index
    %get3A_66 = vector.load %arg1[%get3A_63, %get3A_64, %get3A_65] : memref<32x16x64xf32, #tpu.memory_space<vmem>>, vector<1x16x64xf32>
    %get3A_67 = vector.shape_cast %get3A_66 : vector<1x16x64xf32> to vector<16x64xf32>
    %dot_general3A_68 = arith.constant dense<0.000000e+00> : vector<16x200xf32>
    %dot_general3A_69 = tpu.matmul %get3A_67, %get3A_62, %dot_general3A_68 {dimension_numbers = #tpu.dot_dimension_numbers<[1], [1], [0], [0], [0, 0, 1, 0], [], []>, transpose_lhs_hint = false} : vector<16x64xf32>, vector<200x64xf32>, vector<16x200xf32> -> vector<16x200xf32>
    %mul3A_70 = arith.constant 1.250000e-01 : f32
    %mul3A_71 = vector.broadcast %mul3A_70 : f32 to vector<16x200xf32>
    %mul3A_72 = arith.mulf %dot_general3A_69, %mul3A_71 : vector<16x200xf32>
    %reduce_max3A_73 = arith.constant dense<0xFF800000> : vector<16xf32>
    %reduce_max3A_74 = vector.multi_reduction <maximumf>, %mul3A_72, %reduce_max3A_73 [1] : vector<16x200xf32> to vector<16xf32>
    %broadcast_in_dim3A_75 = vector.shape_cast %reduce_max3A_74 : vector<16xf32> to vector<16x1xf32>
    %sub3A_76 = vector.broadcast %broadcast_in_dim3A_75 : vector<16x1xf32> to vector<16x200xf32>
    %sub3A_77 = arith.subf %mul3A_72, %sub3A_76 : vector<16x200xf32>
    %exp3A_78 = math.exp %sub3A_77 : vector<16x200xf32>
    %reduce_sum3A_79 = arith.constant dense<0.000000e+00> : vector<16xf32>
    %reduce_sum3A_80 = vector.multi_reduction <add>, %exp3A_78, %reduce_sum3A_79 [1] : vector<16x200xf32> to vector<16xf32>
    %broadcast_in_dim3A_81 = vector.shape_cast %reduce_sum3A_80 : vector<16xf32> to vector<16x1xf32>
    %div3A_82 = vector.broadcast %broadcast_in_dim3A_81 : vector<16x1xf32> to vector<16x200xf32>
    %div3A_83 = arith.divf %exp3A_78, %div3A_82 : vector<16x200xf32>
    %dot_general3A_84 = arith.constant dense<0.000000e+00> : vector<16x64xf32>
    %dot_general3A_85 = tpu.matmul %div3A_83, %get3A_62, %dot_general3A_84 {dimension_numbers = #tpu.dot_dimension_numbers<[1], [0], [0], [1], [0, 0, 1, 1], [], []>, transpose_lhs_hint = false} : vector<16x200xf32>, vector<200x64xf32>, vector<16x64xf32> -> vector<16x64xf32>
    %swap3A_86 = arith.constant 0 : index
    %swap3A_87 = arith.constant 2 : index
    %swap3A_88 = arith.constant 0 : index
    %swap3A_89 = vector.load %arg2[%swap3A_86, %swap3A_87, %swap3A_88] : memref<16x32x64xf32, #tpu.memory_space<vmem>>, vector<16x1x64xf32>
    %swap3A_90 = vector.shape_cast %swap3A_89 : vector<16x1x64xf32> to vector<16x64xf32>
    %swap3A_91 = vector.shape_cast %dot_general3A_85 : vector<16x64xf32> to vector<16x1x64xf32>
    tpu.vector_store %arg2[%swap3A_86, %swap3A_87, %swap3A_88], %swap3A_91 {strides = array<i32>} : memref<16x32x64xf32, #tpu.memory_space<vmem>>, vector<16x1x64xf32>,
    %get3A_92 = arith.constant 3 : index
    %get3A_93 = arith.constant 0 : index
    %get3A_94 = arith.constant 0 : index
    %get3A_95 = vector.load %arg0[%get3A_92, %get3A_93, %get3A_94] : memref<32x200x64xf32, #tpu.memory_space<vmem>>, vector<1x200x64xf32>
    %get3A_96 = vector.shape_cast %get3A_95 : vector<1x200x64xf32> to vector<200x64xf32>
    %get3A_97 = arith.constant 3 : index
    %get3A_98 = arith.constant 0 : index
    %get3A_99 = arith.constant 0 : index
    %get3A_100 = vector.load %arg1[%get3A_97, %get3A_98, %get3A_99] : memref<32x16x64xf32, #tpu.memory_space<vmem>>, vector<1x16x64xf32>
    %get3A_101 = vector.shape_cast %get3A_100 : vector<1x16x64xf32> to vector<16x64xf32>
    %dot_general3A_102 = arith.constant dense<0.000000e+00> : vector<16x200xf32>
    %dot_general3A_103 = tpu.matmul %get3A_101, %get3A_96, %dot_general3A_102 {dimension_numbers = #tpu.dot_dimension_numbers<[1], [1], [0], [0], [0, 0, 1, 0], [], []>, transpose_lhs_hint = false} : vector<16x64xf32>, vector<200x64xf32>, vector<16x200xf32> -> vector<16x200xf32>
    %mul3A_104 = arith.constant 1.250000e-01 : f32
    %mul3A_105 = vector.broadcast %mul3A_104 : f32 to vector<16x200xf32>
    %mul3A_106 = arith.mulf %dot_general3A_103, %mul3A_105 : vector<16x200xf32>
    %reduce_max3A_107 = arith.constant dense<0xFF800000> : vector<16xf32>
    %reduce_max3A_108 = vector.multi_reduction <maximumf>, %mul3A_106, %reduce_max3A_107 [1] : vector<16x200xf32> to vector<16xf32>
    %broadcast_in_dim3A_109 = vector.shape_cast %reduce_max3A_108 : vector<16xf32> to vector<16x1xf32>
    %sub3A_110 = vector.broadcast %broadcast_in_dim3A_109 : vector<16x1xf32> to vector<16x200xf32>
    %sub3A_111 = arith.subf %mul3A_106, %sub3A_110 : vector<16x200xf32>
    %exp3A_112 = math.exp %sub3A_111 : vector<16x200xf32>
    %reduce_sum3A_113 = arith.constant dense<0.000000e+00> : vector<16xf32>
    %reduce_sum3A_114 = vector.multi_reduction <add>, %exp3A_112, %reduce_sum3A_113 [1] : vector<16x200xf32> to vector<16xf32>
    %broadcast_in_dim3A_115 = vector.shape_cast %reduce_sum3A_114 : vector<16xf32> to vector<16x1xf32>
    %div3A_116 = vector.broadcast %broadcast_in_dim3A_115 : vector<16x1xf32> to vector<16x200xf32>
    %div3A_117 = arith.divf %exp3A_112, %div3A_116 : vector<16x200xf32>
    %dot_general3A_118 = arith.constant dense<0.000000e+00> : vector<16x64xf32>
    %dot_general3A_119 = tpu.matmul %div3A_117, %get3A_96, %dot_general3A_118 {dimension_numbers = #tpu.dot_dimension_numbers<[1], [0], [0], [1], [0, 0, 1, 1], [], []>, transpose_lhs_hint = false} : vector<16x200xf32>, vector<200x64xf32>, vector<16x64xf32> -> vector<16x64xf32>
    %swap3A_120 = arith.constant 0 : index
    %swap3A_121 = arith.constant 3 : index
    %swap3A_122 = arith.constant 0 : index
    %swap3A_123 = vector.load %arg2[%swap3A_120, %swap3A_121, %swap3A_122] : memref<16x32x64xf32, #tpu.memory_space<vmem>>, vector<16x1x64xf32>
    %swap3A_124 = vector.shape_cast %swap3A_123 : vector<16x1x64xf32> to vector<16x64xf32>
    %swap3A_125 = vector.shape_cast %dot_general3A_119 : vector<16x64xf32> to vector<16x1x64xf32>
    tpu.vector_store %arg2[%swap3A_120, %swap3A_121, %swap3A_122], %swap3A_125 {strides = array<i32>} : memref<16x32x64xf32, #tpu.memory_space<vmem>>, vector<16x1x64xf32>,
    %get3A_126 = arith.constant 4 : index
    %get3A_127 = arith.constant 0 : index
    %get3A_128 = arith.constant 0 : index
    %get3A_129 = vector.load %arg0[%get3A_126, %get3A_127, %get3A_128] : memref<32x200x64xf32, #tpu.memory_space<vmem>>, vector<1x200x64xf32>
    %get3A_130 = vector.shape_cast %get3A_129 : vector<1x200x64xf32> to vector<200x64xf32>
    %get3A_131 = arith.constant 4 : index
    %get3A_132 = arith.constant 0 : index
    %get3A_133 = arith.constant 0 : index
    %get3A_134 = vector.load %arg1[%get3A_131, %get3A_132, %get3A_133] : memref<32x16x64xf32, #tpu.memory_space<vmem>>, vector<1x16x64xf32>
    %get3A_135 = vector.shape_cast %get3A_134 : vector<1x16x64xf32> to vector<16x64xf32>
    %dot_general3A_136 = arith.constant dense<0.000000e+00> : vector<16x200xf32>
    %dot_general3A_137 = tpu.matmul %get3A_135, %get3A_130, %dot_general3A_136 {dimension_numbers = #tpu.dot_dimension_numbers<[1], [1], [0], [0], [0, 0, 1, 0], [], []>, transpose_lhs_hint = false} : vector<16x64xf32>, vector<200x64xf32>, vector<16x200xf32> -> vector<16x200xf32>
    %mul3A_138 = arith.constant 1.250000e-01 : f32
    %mul3A_139 = vector.broadcast %mul3A_138 : f32 to vector<16x200xf32>
    %mul3A_140 = arith.mulf %dot_general3A_137, %mul3A_139 : vector<16x200xf32>
    %reduce_max3A_141 = arith.constant dense<0xFF800000> : vector<16xf32>
    %reduce_max3A_142 = vector.multi_reduction <maximumf>, %mul3A_140, %reduce_max3A_141 [1] : vector<16x200xf32> to vector<16xf32>
    %broadcast_in_dim3A_143 = vector.shape_cast %reduce_max3A_142 : vector<16xf32> to vector<16x1xf32>
    %sub3A_144 = vector.broadcast %broadcast_in_dim3A_143 : vector<16x1xf32> to vector<16x200xf32>
    %sub3A_145 = arith.subf %mul3A_140, %sub3A_144 : vector<16x200xf32>
    %exp3A_146 = math.exp %sub3A_145 : vector<16x200xf32>
    %reduce_sum3A_147 = arith.constant dense<0.000000e+00> : vector<16xf32>
    %reduce_sum3A_148 = vector.multi_reduction <add>, %exp3A_146, %reduce_sum3A_147 [1] : vector<16x200xf32> to vector<16xf32>
    %broadcast_in_dim3A_149 = vector.shape_cast %reduce_sum3A_148 : vector<16xf32> to vector<16x1xf32>
    %div3A_150 = vector.broadcast %broadcast_in_dim3A_149 : vector<16x1xf32> to vector<16x200xf32>
    %div3A_151 = arith.divf %exp3A_146, %div3A_150 : vector<16x200xf32>
    %dot_general3A_152 = arith.constant dense<0.000000e+00> : vector<16x64xf32>
    %dot_general3A_153 = tpu.matmul %div3A_151, %get3A_130, %dot_general3A_152 {dimension_numbers = #tpu.dot_dimension_numbers<[1], [0], [0], [1], [0, 0, 1, 1], [], []>, transpose_lhs_hint = false} : vector<16x200xf32>, vector<200x64xf32>, vector<16x64xf32> -> vector<16x64xf32>
    %swap3A_154 = arith.constant 0 : index
    %swap3A_155 = arith.constant 4 : index
    %swap3A_156 = arith.constant 0 : index
    %swap3A_157 = vector.load %arg2[%swap3A_154, %swap3A_155, %swap3A_156] : memref<16x32x64xf32, #tpu.memory_space<vmem>>, vector<16x1x64xf32>
    %swap3A_158 = vector.shape_cast %swap3A_157 : vector<16x1x64xf32> to vector<16x64xf32>
    %swap3A_159 = vector.shape_cast %dot_general3A_153 : vector<16x64xf32> to vector<16x1x64xf32>
    tpu.vector_store %arg2[%swap3A_154, %swap3A_155, %swap3A_156], %swap3A_159 {strides = array<i32>} : memref<16x32x64xf32, #tpu.memory_space<vmem>>, vector<16x1x64xf32>,
    %get3A_160 = arith.constant 5 : index
    %get3A_161 = arith.constant 0 : index
    %get3A_162 = arith.constant 0 : index
    %get3A_163 = vector.load %arg0[%get3A_160, %get3A_161, %get3A_162] : memref<32x200x64xf32, #tpu.memory_space<vmem>>, vector<1x200x64xf32>
    %get3A_164 = vector.shape_cast %get3A_163 : vector<1x200x64xf32> to vector<200x64xf32>
    %get3A_165 = arith.constant 5 : index
    %get3A_166 = arith.constant 0 : index
    %get3A_167 = arith.constant 0 : index
    %get3A_168 = vector.load %arg1[%get3A_165, %get3A_166, %get3A_167] : memref<32x16x64xf32, #tpu.memory_space<vmem>>, vector<1x16x64xf32>
    %get3A_169 = vector.shape_cast %get3A_168 : vector<1x16x64xf32> to vector<16x64xf32>
    %dot_general3A_170 = arith.constant dense<0.000000e+00> : vector<16x200xf32>
    %dot_general3A_171 = tpu.matmul %get3A_169, %get3A_164, %dot_general3A_170 {dimension_numbers = #tpu.dot_dimension_numbers<[1], [1], [0], [0], [0, 0, 1, 0], [], []>, transpose_lhs_hint = false} : vector<16x64xf32>, vector<200x64xf32>, vector<16x200xf32> -> vector<16x200xf32>
    %mul3A_172 = arith.constant 1.250000e-01 : f32
    %mul3A_173 = vector.broadcast %mul3A_172 : f32 to vector<16x200xf32>
    %mul3A_174 = arith.mulf %dot_general3A_171, %mul3A_173 : vector<16x200xf32>
    %reduce_max3A_175 = arith.constant dense<0xFF800000> : vector<16xf32>
    %reduce_max3A_176 = vector.multi_reduction <maximumf>, %mul3A_174, %reduce_max3A_175 [1] : vector<16x200xf32> to vector<16xf32>
    %broadcast_in_dim3A_177 = vector.shape_cast %reduce_max3A_176 : vector<16xf32> to vector<16x1xf32>
    %sub3A_178 = vector.broadcast %broadcast_in_dim3A_177 : vector<16x1xf32> to vector<16x200xf32>
    %sub3A_179 = arith.subf %mul3A_174, %sub3A_178 : vector<16x200xf32>
    %exp3A_180 = math.exp %sub3A_179 : vector<16x200xf32>
    %reduce_sum3A_181 = arith.constant dense<0.000000e+00> : vector<16xf32>
    %reduce_sum3A_182 = vector.multi_reduction <add>, %exp3A_180, %reduce_sum3A_181 [1] : vector<16x200xf32> to vector<16xf32>
    %broadcast_in_dim3A_183 = vector.shape_cast %reduce_sum3A_182 : vector<16xf32> to vector<16x1xf32>
    %div3A_184 = vector.broadcast %broadcast_in_dim3A_183 : vector<16x1xf32> to vector<16x200xf32>
    %div3A_185 = arith.divf %exp3A_180, %div3A_184 : vector<16x200xf32>
    %dot_general3A_186 = arith.constant dense<0.000000e+00> : vector<16x64xf32>
    %dot_general3A_187 = tpu.matmul %div3A_185, %get3A_164, %dot_general3A_186 {dimension_numbers = #tpu.dot_dimension_numbers<[1], [0], [0], [1], [0, 0, 1, 1], [], []>, transpose_lhs_hint = false} : vector<16x200xf32>, vector<200x64xf32>, vector<16x64xf32> -> vector<16x64xf32>
    %swap3A_188 = arith.constant 0 : index
    %swap3A_189 = arith.constant 5 : index
    %swap3A_190 = arith.constant 0 : index
    %swap3A_191 = vector.load %arg2[%swap3A_188, %swap3A_189, %swap3A_190] : memref<16x32x64xf32, #tpu.memory_space<vmem>>, vector<16x1x64xf32>
    %swap3A_192 = vector.shape_cast %swap3A_191 : vector<16x1x64xf32> to vector<16x64xf32>
    %swap3A_193 = vector.shape_cast %dot_general3A_187 : vector<16x64xf32> to vector<16x1x64xf32>
    tpu.vector_store %arg2[%swap3A_188, %swap3A_189, %swap3A_190], %swap3A_193 {strides = array<i32>} : memref<16x32x64xf32, #tpu.memory_space<vmem>>, vector<16x1x64xf32>,
    %get3A_194 = arith.constant 6 : index
    %get3A_195 = arith.constant 0 : index
    %get3A_196 = arith.constant 0 : index
    %get3A_197 = vector.load %arg0[%get3A_194, %get3A_195, %get3A_196] : memref<32x200x64xf32, #tpu.memory_space<vmem>>, vector<1x200x64xf32>
    %get3A_198 = vector.shape_cast %get3A_197 : vector<1x200x64xf32> to vector<200x64xf32>
    %get3A_199 = arith.constant 6 : index
    %get3A_200 = arith.constant 0 : index
    %get3A_201 = arith.constant 0 : index
    %get3A_202 = vector.load %arg1[%get3A_199, %get3A_200, %get3A_201] : memref<32x16x64xf32, #tpu.memory_space<vmem>>, vector<1x16x64xf32>
    %get3A_203 = vector.shape_cast %get3A_202 : vector<1x16x64xf32> to vector<16x64xf32>
    %dot_general3A_204 = arith.constant dense<0.000000e+00> : vector<16x200xf32>
    %dot_general3A_205 = tpu.matmul %get3A_203, %get3A_198, %dot_general3A_204 {dimension_numbers = #tpu.dot_dimension_numbers<[1], [1], [0], [0], [0, 0, 1, 0], [], []>, transpose_lhs_hint = false} : vector<16x64xf32>, vector<200x64xf32>, vector<16x200xf32> -> vector<16x200xf32>
    %mul3A_206 = arith.constant 1.250000e-01 : f32
    %mul3A_207 = vector.broadcast %mul3A_206 : f32 to vector<16x200xf32>
    %mul3A_208 = arith.mulf %dot_general3A_205, %mul3A_207 : vector<16x200xf32>
    %reduce_max3A_209 = arith.constant dense<0xFF800000> : vector<16xf32>
    %reduce_max3A_210 = vector.multi_reduction <maximumf>, %mul3A_208, %reduce_max3A_209 [1] : vector<16x200xf32> to vector<16xf32>
    %broadcast_in_dim3A_211 = vector.shape_cast %reduce_max3A_210 : vector<16xf32> to vector<16x1xf32>
    %sub3A_212 = vector.broadcast %broadcast_in_dim3A_211 : vector<16x1xf32> to vector<16x200xf32>
    %sub3A_213 = arith.subf %mul3A_208, %sub3A_212 : vector<16x200xf32>
    %exp3A_214 = math.exp %sub3A_213 : vector<16x200xf32>
    %reduce_sum3A_215 = arith.constant dense<0.000000e+00> : vector<16xf32>
    %reduce_sum3A_216 = vector.multi_reduction <add>, %exp3A_214, %reduce_sum3A_215 [1] : vector<16x200xf32> to vector<16xf32>
    %broadcast_in_dim3A_217 = vector.shape_cast %reduce_sum3A_216 : vector<16xf32> to vector<16x1xf32>
    %div3A_218 = vector.broadcast %broadcast_in_dim3A_217 : vector<16x1xf32> to vector<16x200xf32>
    %div3A_219 = arith.divf %exp3A_214, %div3A_218 : vector<16x200xf32>
    %dot_general3A_220 = arith.constant dense<0.000000e+00> : vector<16x64xf32>
    %dot_general3A_221 = tpu.matmul %div3A_219, %get3A_198, %dot_general3A_220 {dimension_numbers = #tpu.dot_dimension_numbers<[1], [0], [0], [1], [0, 0, 1, 1], [], []>, transpose_lhs_hint = false} : vector<16x200xf32>, vector<200x64xf32>, vector<16x64xf32> -> vector<16x64xf32>
    %swap3A_222 = arith.constant 0 : index
    %swap3A_223 = arith.constant 6 : index
    %swap3A_224 = arith.constant 0 : index
    %swap3A_225 = vector.load %arg2[%swap3A_222, %swap3A_223, %swap3A_224] : memref<16x32x64xf32, #tpu.memory_space<vmem>>, vector<16x1x64xf32>
    %swap3A_226 = vector.shape_cast %swap3A_225 : vector<16x1x64xf32> to vector<16x64xf32>
    %swap3A_227 = vector.shape_cast %dot_general3A_221 : vector<16x64xf32> to vector<16x1x64xf32>
    tpu.vector_store %arg2[%swap3A_222, %swap3A_223, %swap3A_224], %swap3A_227 {strides = array<i32>} : memref<16x32x64xf32, #tpu.memory_space<vmem>>, vector<16x1x64xf32>,
    %get3A_228 = arith.constant 7 : index
    %get3A_229 = arith.constant 0 : index
    %get3A_230 = arith.constant 0 : index
    %get3A_231 = vector.load %arg0[%get3A_228, %get3A_229, %get3A_230] : memref<32x200x64xf32, #tpu.memory_space<vmem>>, vector<1x200x64xf32>
    %get3A_232 = vector.shape_cast %get3A_231 : vector<1x200x64xf32> to vector<200x64xf32>
    %get3A_233 = arith.constant 7 : index
    %get3A_234 = arith.constant 0 : index
    %get3A_235 = arith.constant 0 : index
    %get3A_236 = vector.load %arg1[%get3A_233, %get3A_234, %get3A_235] : memref<32x16x64xf32, #tpu.memory_space<vmem>>, vector<1x16x64xf32>
    %get3A_237 = vector.shape_cast %get3A_236 : vector<1x16x64xf32> to vector<16x64xf32>
    %dot_general3A_238 = arith.constant dense<0.000000e+00> : vector<16x200xf32>
    %dot_general3A_239 = tpu.matmul %get3A_237, %get3A_232, %dot_general3A_238 {dimension_numbers = #tpu.dot_dimension_numbers<[1], [1], [0], [0], [0, 0, 1, 0], [], []>, transpose_lhs_hint = false} : vector<16x64xf32>, vector<200x64xf32>, vector<16x200xf32> -> vector<16x200xf32>
    %mul3A_240 = arith.constant 1.250000e-01 : f32
    %mul3A_241 = vector.broadcast %mul3A_240 : f32 to vector<16x200xf32>
    %mul3A_242 = arith.mulf %dot_general3A_239, %mul3A_241 : vector<16x200xf32>
    %reduce_max3A_243 = arith.constant dense<0xFF800000> : vector<16xf32>
    %reduce_max3A_244 = vector.multi_reduction <maximumf>, %mul3A_242, %reduce_max3A_243 [1] : vector<16x200xf32> to vector<16xf32>
    %broadcast_in_dim3A_245 = vector.shape_cast %reduce_max3A_244 : vector<16xf32> to vector<16x1xf32>
    %sub3A_246 = vector.broadcast %broadcast_in_dim3A_245 : vector<16x1xf32> to vector<16x200xf32>
    %sub3A_247 = arith.subf %mul3A_242, %sub3A_246 : vector<16x200xf32>
    %exp3A_248 = math.exp %sub3A_247 : vector<16x200xf32>
    %reduce_sum3A_249 = arith.constant dense<0.000000e+00> : vector<16xf32>
    %reduce_sum3A_250 = vector.multi_reduction <add>, %exp3A_248, %reduce_sum3A_249 [1] : vector<16x200xf32> to vector<16xf32>
    %broadcast_in_dim3A_251 = vector.shape_cast %reduce_sum3A_250 : vector<16xf32> to vector<16x1xf32>
    %div3A_252 = vector.broadcast %broadcast_in_dim3A_251 : vector<16x1xf32> to vector<16x200xf32>
    %div3A_253 = arith.divf %exp3A_248, %div3A_252 : vector<16x200xf32>
    %dot_general3A_254 = arith.constant dense<0.000000e+00> : vector<16x64xf32>
    %dot_general3A_255 = tpu.matmul %div3A_253, %get3A_232, %dot_general3A_254 {dimension_numbers = #tpu.dot_dimension_numbers<[1], [0], [0], [1], [0, 0, 1, 1], [], []>, transpose_lhs_hint = false} : vector<16x200xf32>, vector<200x64xf32>, vector<16x64xf32> -> vector<16x64xf32>
    %swap3A_256 = arith.constant 0 : index
    %swap3A_257 = arith.constant 7 : index
    %swap3A_258 = arith.constant 0 : index
    %swap3A_259 = vector.load %arg2[%swap3A_256, %swap3A_257, %swap3A_258] : memref<16x32x64xf32, #tpu.memory_space<vmem>>, vector<16x1x64xf32>
    %swap3A_260 = vector.shape_cast %swap3A_259 : vector<16x1x64xf32> to vector<16x64xf32>
    %swap3A_261 = vector.shape_cast %dot_general3A_255 : vector<16x64xf32> to vector<16x1x64xf32>
    tpu.vector_store %arg2[%swap3A_256, %swap3A_257, %swap3A_258], %swap3A_261 {strides = array<i32>} : memref<16x32x64xf32, #tpu.memory_space<vmem>>, vector<16x1x64xf32>,
    %get3A_262 = arith.constant 8 : index
    %get3A_263 = arith.constant 0 : index
    %get3A_264 = arith.constant 0 : index
    %get3A_265 = vector.load %arg0[%get3A_262, %get3A_263, %get3A_264] : memref<32x200x64xf32, #tpu.memory_space<vmem>>, vector<1x200x64xf32>
    %get3A_266 = vector.shape_cast %get3A_265 : vector<1x200x64xf32> to vector<200x64xf32>
    %get3A_267 = arith.constant 8 : index
    %get3A_268 = arith.constant 0 : index
    %get3A_269 = arith.constant 0 : index
    %get3A_270 = vector.load %arg1[%get3A_267, %get3A_268, %get3A_269] : memref<32x16x64xf32, #tpu.memory_space<vmem>>, vector<1x16x64xf32>
    %get3A_271 = vector.shape_cast %get3A_270 : vector<1x16x64xf32> to vector<16x64xf32>
    %dot_general3A_272 = arith.constant dense<0.000000e+00> : vector<16x200xf32>
    %dot_general3A_273 = tpu.matmul %get3A_271, %get3A_266, %dot_general3A_272 {dimension_numbers = #tpu.dot_dimension_numbers<[1], [1], [0], [0], [0, 0, 1, 0], [], []>, transpose_lhs_hint = false} : vector<16x64xf32>, vector<200x64xf32>, vector<16x200xf32> -> vector<16x200xf32>
    %mul3A_274 = arith.constant 1.250000e-01 : f32
    %mul3A_275 = vector.broadcast %mul3A_274 : f32 to vector<16x200xf32>
    %mul3A_276 = arith.mulf %dot_general3A_273, %mul3A_275 : vector<16x200xf32>
    %reduce_max3A_277 = arith.constant dense<0xFF800000> : vector<16xf32>
    %reduce_max3A_278 = vector.multi_reduction <maximumf>, %mul3A_276, %reduce_max3A_277 [1] : vector<16x200xf32> to vector<16xf32>
    %broadcast_in_dim3A_279 = vector.shape_cast %reduce_max3A_278 : vector<16xf32> to vector<16x1xf32>
    %sub3A_280 = vector.broadcast %broadcast_in_dim3A_279 : vector<16x1xf32> to vector<16x200xf32>
    %sub3A_281 = arith.subf %mul3A_276, %sub3A_280 : vector<16x200xf32>
    %exp3A_282 = math.exp %sub3A_281 : vector<16x200xf32>
    %reduce_sum3A_283 = arith.constant dense<0.000000e+00> : vector<16xf32>
    %reduce_sum3A_284 = vector.multi_reduction <add>, %exp3A_282, %reduce_sum3A_283 [1] : vector<16x200xf32> to vector<16xf32>
    %broadcast_in_dim3A_285 = vector.shape_cast %reduce_sum3A_284 : vector<16xf32> to vector<16x1xf32>
    %div3A_286 = vector.broadcast %broadcast_in_dim3A_285 : vector<16x1xf32> to vector<16x200xf32>
    %div3A_287 = arith.divf %exp3A_282, %div3A_286 : vector<16x200xf32>
    %dot_general3A_288 = arith.constant dense<0.000000e+00> : vector<16x64xf32>
    %dot_general3A_289 = tpu.matmul %div3A_287, %get3A_266, %dot_general3A_288 {dimension_numbers = #tpu.dot_dimension_numbers<[1], [0], [0], [1], [0, 0, 1, 1], [], []>, transpose_lhs_hint = false} : vector<16x200xf32>, vector<200x64xf32>, vector<16x64xf32> -> vector<16x64xf32>
    %swap3A_290 = arith.constant 0 : index
    %swap3A_291 = arith.constant 8 : index
    %swap3A_292 = arith.constant 0 : index
    %swap3A_293 = vector.load %arg2[%swap3A_290, %swap3A_291, %swap3A_292] : memref<16x32x64xf32, #tpu.memory_space<vmem>>, vector<16x1x64xf32>
    %swap3A_294 = vector.shape_cast %swap3A_293 : vector<16x1x64xf32> to vector<16x64xf32>
    %swap3A_295 = vector.shape_cast %dot_general3A_289 : vector<16x64xf32> to vector<16x1x64xf32>
    tpu.vector_store %arg2[%swap3A_290, %swap3A_291, %swap3A_292], %swap3A_295 {strides = array<i32>} : memref<16x32x64xf32, #tpu.memory_space<vmem>>, vector<16x1x64xf32>,
    %get3A_296 = arith.constant 9 : index
    %get3A_297 = arith.constant 0 : index
    %get3A_298 = arith.constant 0 : index
    %get3A_299 = vector.load %arg0[%get3A_296, %get3A_297, %get3A_298] : memref<32x200x64xf32, #tpu.memory_space<vmem>>, vector<1x200x64xf32>
    %get3A_300 = vector.shape_cast %get3A_299 : vector<1x200x64xf32> to vector<200x64xf32>
    %get3A_301 = arith.constant 9 : index
    %get3A_302 = arith.constant 0 : index
    %get3A_303 = arith.constant 0 : index
    %get3A_304 = vector.load %arg1[%get3A_301, %get3A_302, %get3A_303] : memref<32x16x64xf32, #tpu.memory_space<vmem>>, vector<1x16x64xf32>
    %get3A_305 = vector.shape_cast %get3A_304 : vector<1x16x64xf32> to vector<16x64xf32>
    %dot_general3A_306 = arith.constant dense<0.000000e+00> : vector<16x200xf32>
    %dot_general3A_307 = tpu.matmul %get3A_305, %get3A_300, %dot_general3A_306 {dimension_numbers = #tpu.dot_dimension_numbers<[1], [1], [0], [0], [0, 0, 1, 0], [], []>, transpose_lhs_hint = false} : vector<16x64xf32>, vector<200x64xf32>, vector<16x200xf32> -> vector<16x200xf32>
    %mul3A_308 = arith.constant 1.250000e-01 : f32
    %mul3A_309 = vector.broadcast %mul3A_308 : f32 to vector<16x200xf32>
    %mul3A_310 = arith.mulf %dot_general3A_307, %mul3A_309 : vector<16x200xf32>
    %reduce_max3A_311 = arith.constant dense<0xFF800000> : vector<16xf32>
    %reduce_max3A_312 = vector.multi_reduction <maximumf>, %mul3A_310, %reduce_max3A_311 [1] : vector<16x200xf32> to vector<16xf32>
    %broadcast_in_dim3A_313 = vector.shape_cast %reduce_max3A_312 : vector<16xf32> to vector<16x1xf32>
    %sub3A_314 = vector.broadcast %broadcast_in_dim3A_313 : vector<16x1xf32> to vector<16x200xf32>
    %sub3A_315 = arith.subf %mul3A_310, %sub3A_314 : vector<16x200xf32>
    %exp3A_316 = math.exp %sub3A_315 : vector<16x200xf32>
    %reduce_sum3A_317 = arith.constant dense<0.000000e+00> : vector<16xf32>
    %reduce_sum3A_318 = vector.multi_reduction <add>, %exp3A_316, %reduce_sum3A_317 [1] : vector<16x200xf32> to vector<16xf32>
    %broadcast_in_dim3A_319 = vector.shape_cast %reduce_sum3A_318 : vector<16xf32> to vector<16x1xf32>
    %div3A_320 = vector.broadcast %broadcast_in_dim3A_319 : vector<16x1xf32> to vector<16x200xf32>
    %div3A_321 = arith.divf %exp3A_316, %div3A_320 : vector<16x200xf32>
    %dot_general3A_322 = arith.constant dense<0.000000e+00> : vector<16x64xf32>
    %dot_general3A_323 = tpu.matmul %div3A_321, %get3A_300, %dot_general3A_322 {dimension_numbers = #tpu.dot_dimension_numbers<[1], [0], [0], [1], [0, 0, 1, 1], [], []>, transpose_lhs_hint = false} : vector<16x200xf32>, vector<200x64xf32>, vector<16x64xf32> -> vector<16x64xf32>
    %swap3A_324 = arith.constant 0 : index
    %swap3A_325 = arith.constant 9 : index
    %swap3A_326 = arith.constant 0 : index
    %swap3A_327 = vector.load %arg2[%swap3A_324, %swap3A_325, %swap3A_326] : memref<16x32x64xf32, #tpu.memory_space<vmem>>, vector<16x1x64xf32>
    %swap3A_328 = vector.shape_cast %swap3A_327 : vector<16x1x64xf32> to vector<16x64xf32>
    %swap3A_329 = vector.shape_cast %dot_general3A_323 : vector<16x64xf32> to vector<16x1x64xf32>
    tpu.vector_store %arg2[%swap3A_324, %swap3A_325, %swap3A_326], %swap3A_329 {strides = array<i32>} : memref<16x32x64xf32, #tpu.memory_space<vmem>>, vector<16x1x64xf32>,
    %get3A_330 = arith.constant 10 : index
    %get3A_331 = arith.constant 0 : index
    %get3A_332 = arith.constant 0 : index
    %get3A_333 = vector.load %arg0[%get3A_330, %get3A_331, %get3A_332] : memref<32x200x64xf32, #tpu.memory_space<vmem>>, vector<1x200x64xf32>
    %get3A_334 = vector.shape_cast %get3A_333 : vector<1x200x64xf32> to vector<200x64xf32>
    %get3A_335 = arith.constant 10 : index
    %get3A_336 = arith.constant 0 : index
    %get3A_337 = arith.constant 0 : index
    %get3A_338 = vector.load %arg1[%get3A_335, %get3A_336, %get3A_337] : memref<32x16x64xf32, #tpu.memory_space<vmem>>, vector<1x16x64xf32>
    %get3A_339 = vector.shape_cast %get3A_338 : vector<1x16x64xf32> to vector<16x64xf32>
    %dot_general3A_340 = arith.constant dense<0.000000e+00> : vector<16x200xf32>
    %dot_general3A_341 = tpu.matmul %get3A_339, %get3A_334, %dot_general3A_340 {dimension_numbers = #tpu.dot_dimension_numbers<[1], [1], [0], [0], [0, 0, 1, 0], [], []>, transpose_lhs_hint = false} : vector<16x64xf32>, vector<200x64xf32>, vector<16x200xf32> -> vector<16x200xf32>
    %mul3A_342 = arith.constant 1.250000e-01 : f32
    %mul3A_343 = vector.broadcast %mul3A_342 : f32 to vector<16x200xf32>
    %mul3A_344 = arith.mulf %dot_general3A_341, %mul3A_343 : vector<16x200xf32>
    %reduce_max3A_345 = arith.constant dense<0xFF800000> : vector<16xf32>
    %reduce_max3A_346 = vector.multi_reduction <maximumf>, %mul3A_344, %reduce_max3A_345 [1] : vector<16x200xf32> to vector<16xf32>
    %broadcast_in_dim3A_347 = vector.shape_cast %reduce_max3A_346 : vector<16xf32> to vector<16x1xf32>
    %sub3A_348 = vector.broadcast %broadcast_in_dim3A_347 : vector<16x1xf32> to vector<16x200xf32>
    %sub3A_349 = arith.subf %mul3A_344, %sub3A_348 : vector<16x200xf32>
    %exp3A_350 = math.exp %sub3A_349 : vector<16x200xf32>
    %reduce_sum3A_351 = arith.constant dense<0.000000e+00> : vector<16xf32>
    %reduce_sum3A_352 = vector.multi_reduction <add>, %exp3A_350, %reduce_sum3A_351 [1] : vector<16x200xf32> to vector<16xf32>
    %broadcast_in_dim3A_353 = vector.shape_cast %reduce_sum3A_352 : vector<16xf32> to vector<16x1xf32>
    %div3A_354 = vector.broadcast %broadcast_in_dim3A_353 : vector<16x1xf32> to vector<16x200xf32>
    %div3A_355 = arith.divf %exp3A_350, %div3A_354 : vector<16x200xf32>
    %dot_general3A_356 = arith.constant dense<0.000000e+00> : vector<16x64xf32>
    %dot_general3A_357 = tpu.matmul %div3A_355, %get3A_334, %dot_general3A_356 {dimension_numbers = #tpu.dot_dimension_numbers<[1], [0], [0], [1], [0, 0, 1, 1], [], []>, transpose_lhs_hint = false} : vector<16x200xf32>, vector<200x64xf32>, vector<16x64xf32> -> vector<16x64xf32>
    %swap3A_358 = arith.constant 0 : index
    %swap3A_359 = arith.constant 10 : index
    %swap3A_360 = arith.constant 0 : index
    %swap3A_361 = vector.load %arg2[%swap3A_358, %swap3A_359, %swap3A_360] : memref<16x32x64xf32, #tpu.memory_space<vmem>>, vector<16x1x64xf32>
    %swap3A_362 = vector.shape_cast %swap3A_361 : vector<16x1x64xf32> to vector<16x64xf32>
    %swap3A_363 = vector.shape_cast %dot_general3A_357 : vector<16x64xf32> to vector<16x1x64xf32>
    tpu.vector_store %arg2[%swap3A_358, %swap3A_359, %swap3A_360], %swap3A_363 {strides = array<i32>} : memref<16x32x64xf32, #tpu.memory_space<vmem>>, vector<16x1x64xf32>,
    %get3A_364 = arith.constant 11 : index
    %get3A_365 = arith.constant 0 : index
    %get3A_366 = arith.constant 0 : index
    %get3A_367 = vector.load %arg0[%get3A_364, %get3A_365, %get3A_366] : memref<32x200x64xf32, #tpu.memory_space<vmem>>, vector<1x200x64xf32>
    %get3A_368 = vector.shape_cast %get3A_367 : vector<1x200x64xf32> to vector<200x64xf32>
    %get3A_369 = arith.constant 11 : index
    %get3A_370 = arith.constant 0 : index
    %get3A_371 = arith.constant 0 : index
    %get3A_372 = vector.load %arg1[%get3A_369, %get3A_370, %get3A_371] : memref<32x16x64xf32, #tpu.memory_space<vmem>>, vector<1x16x64xf32>
    %get3A_373 = vector.shape_cast %get3A_372 : vector<1x16x64xf32> to vector<16x64xf32>
    %dot_general3A_374 = arith.constant dense<0.000000e+00> : vector<16x200xf32>
    %dot_general3A_375 = tpu.matmul %get3A_373, %get3A_368, %dot_general3A_374 {dimension_numbers = #tpu.dot_dimension_numbers<[1], [1], [0], [0], [0, 0, 1, 0], [], []>, transpose_lhs_hint = false} : vector<16x64xf32>, vector<200x64xf32>, vector<16x200xf32> -> vector<16x200xf32>
    %mul3A_376 = arith.constant 1.250000e-01 : f32
    %mul3A_377 = vector.broadcast %mul3A_376 : f32 to vector<16x200xf32>
    %mul3A_378 = arith.mulf %dot_general3A_375, %mul3A_377 : vector<16x200xf32>
    %reduce_max3A_379 = arith.constant dense<0xFF800000> : vector<16xf32>
    %reduce_max3A_380 = vector.multi_reduction <maximumf>, %mul3A_378, %reduce_max3A_379 [1] : vector<16x200xf32> to vector<16xf32>
    %broadcast_in_dim3A_381 = vector.shape_cast %reduce_max3A_380 : vector<16xf32> to vector<16x1xf32>
    %sub3A_382 = vector.broadcast %broadcast_in_dim3A_381 : vector<16x1xf32> to vector<16x200xf32>
    %sub3A_383 = arith.subf %mul3A_378, %sub3A_382 : vector<16x200xf32>
    %exp3A_384 = math.exp %sub3A_383 : vector<16x200xf32>
    %reduce_sum3A_385 = arith.constant dense<0.000000e+00> : vector<16xf32>
    %reduce_sum3A_386 = vector.multi_reduction <add>, %exp3A_384, %reduce_sum3A_385 [1] : vector<16x200xf32> to vector<16xf32>
    %broadcast_in_dim3A_387 = vector.shape_cast %reduce_sum3A_386 : vector<16xf32> to vector<16x1xf32>
    %div3A_388 = vector.broadcast %broadcast_in_dim3A_387 : vector<16x1xf32> to vector<16x200xf32>
    %div3A_389 = arith.divf %exp3A_384, %div3A_388 : vector<16x200xf32>
    %dot_general3A_390 = arith.constant dense<0.000000e+00> : vector<16x64xf32>
    %dot_general3A_391 = tpu.matmul %div3A_389, %get3A_368, %dot_general3A_390 {dimension_numbers = #tpu.dot_dimension_numbers<[1], [0], [0], [1], [0, 0, 1, 1], [], []>, transpose_lhs_hint = false} : vector<16x200xf32>, vector<200x64xf32>, vector<16x64xf32> -> vector<16x64xf32>
    %swap3A_392 = arith.constant 0 : index
    %swap3A_393 = arith.constant 11 : index
    %swap3A_394 = arith.constant 0 : index
    %swap3A_395 = vector.load %arg2[%swap3A_392, %swap3A_393, %swap3A_394] : memref<16x32x64xf32, #tpu.memory_space<vmem>>, vector<16x1x64xf32>
    %swap3A_396 = vector.shape_cast %swap3A_395 : vector<16x1x64xf32> to vector<16x64xf32>
    %swap3A_397 = vector.shape_cast %dot_general3A_391 : vector<16x64xf32> to vector<16x1x64xf32>
    tpu.vector_store %arg2[%swap3A_392, %swap3A_393, %swap3A_394], %swap3A_397 {strides = array<i32>} : memref<16x32x64xf32, #tpu.memory_space<vmem>>, vector<16x1x64xf32>,
    %get3A_398 = arith.constant 12 : index
    %get3A_399 = arith.constant 0 : index
    %get3A_400 = arith.constant 0 : index
    %get3A_401 = vector.load %arg0[%get3A_398, %get3A_399, %get3A_400] : memref<32x200x64xf32, #tpu.memory_space<vmem>>, vector<1x200x64xf32>
    %get3A_402 = vector.shape_cast %get3A_401 : vector<1x200x64xf32> to vector<200x64xf32>
    %get3A_403 = arith.constant 12 : index
    %get3A_404 = arith.constant 0 : index
    %get3A_405 = arith.constant 0 : index
    %get3A_406 = vector.load %arg1[%get3A_403, %get3A_404, %get3A_405] : memref<32x16x64xf32, #tpu.memory_space<vmem>>, vector<1x16x64xf32>
    %get3A_407 = vector.shape_cast %get3A_406 : vector<1x16x64xf32> to vector<16x64xf32>
    %dot_general3A_408 = arith.constant dense<0.000000e+00> : vector<16x200xf32>
    %dot_general3A_409 = tpu.matmul %get3A_407, %get3A_402, %dot_general3A_408 {dimension_numbers = #tpu.dot_dimension_numbers<[1], [1], [0], [0], [0, 0, 1, 0], [], []>, transpose_lhs_hint = false} : vector<16x64xf32>, vector<200x64xf32>, vector<16x200xf32> -> vector<16x200xf32>
    %mul3A_410 = arith.constant 1.250000e-01 : f32
    %mul3A_411 = vector.broadcast %mul3A_410 : f32 to vector<16x200xf32>
    %mul3A_412 = arith.mulf %dot_general3A_409, %mul3A_411 : vector<16x200xf32>
    %reduce_max3A_413 = arith.constant dense<0xFF800000> : vector<16xf32>
    %reduce_max3A_414 = vector.multi_reduction <maximumf>, %mul3A_412, %reduce_max3A_413 [1] : vector<16x200xf32> to vector<16xf32>
    %broadcast_in_dim3A_415 = vector.shape_cast %reduce_max3A_414 : vector<16xf32> to vector<16x1xf32>
    %sub3A_416 = vector.broadcast %broadcast_in_dim3A_415 : vector<16x1xf32> to vector<16x200xf32>
    %sub3A_417 = arith.subf %mul3A_412, %sub3A_416 : vector<16x200xf32>
    %exp3A_418 = math.exp %sub3A_417 : vector<16x200xf32>
    %reduce_sum3A_419 = arith.constant dense<0.000000e+00> : vector<16xf32>
    %reduce_sum3A_420 = vector.multi_reduction <add>, %exp3A_418, %reduce_sum3A_419 [1] : vector<16x200xf32> to vector<16xf32>
    %broadcast_in_dim3A_421 = vector.shape_cast %reduce_sum3A_420 : vector<16xf32> to vector<16x1xf32>
    %div3A_422 = vector.broadcast %broadcast_in_dim3A_421 : vector<16x1xf32> to vector<16x200xf32>
    %div3A_423 = arith.divf %exp3A_418, %div3A_422 : vector<16x200xf32>
    %dot_general3A_424 = arith.constant dense<0.000000e+00> : vector<16x64xf32>
    %dot_general3A_425 = tpu.matmul %div3A_423, %get3A_402, %dot_general3A_424 {dimension_numbers = #tpu.dot_dimension_numbers<[1], [0], [0], [1], [0, 0, 1, 1], [], []>, transpose_lhs_hint = false} : vector<16x200xf32>, vector<200x64xf32>, vector<16x64xf32> -> vector<16x64xf32>
    %swap3A_426 = arith.constant 0 : index
    %swap3A_427 = arith.constant 12 : index
    %swap3A_428 = arith.constant 0 : index
    %swap3A_429 = vector.load %arg2[%swap3A_426, %swap3A_427, %swap3A_428] : memref<16x32x64xf32, #tpu.memory_space<vmem>>, vector<16x1x64xf32>
    %swap3A_430 = vector.shape_cast %swap3A_429 : vector<16x1x64xf32> to vector<16x64xf32>
    %swap3A_431 = vector.shape_cast %dot_general3A_425 : vector<16x64xf32> to vector<16x1x64xf32>
    tpu.vector_store %arg2[%swap3A_426, %swap3A_427, %swap3A_428], %swap3A_431 {strides = array<i32>} : memref<16x32x64xf32, #tpu.memory_space<vmem>>, vector<16x1x64xf32>,
    %get3A_432 = arith.constant 13 : index
    %get3A_433 = arith.constant 0 : index
    %get3A_434 = arith.constant 0 : index
    %get3A_435 = vector.load %arg0[%get3A_432, %get3A_433, %get3A_434] : memref<32x200x64xf32, #tpu.memory_space<vmem>>, vector<1x200x64xf32>
    %get3A_436 = vector.shape_cast %get3A_435 : vector<1x200x64xf32> to vector<200x64xf32>
    %get3A_437 = arith.constant 13 : index
    %get3A_438 = arith.constant 0 : index
    %get3A_439 = arith.constant 0 : index
    %get3A_440 = vector.load %arg1[%get3A_437, %get3A_438, %get3A_439] : memref<32x16x64xf32, #tpu.memory_space<vmem>>, vector<1x16x64xf32>
    %get3A_441 = vector.shape_cast %get3A_440 : vector<1x16x64xf32> to vector<16x64xf32>
    %dot_general3A_442 = arith.constant dense<0.000000e+00> : vector<16x200xf32>
    %dot_general3A_443 = tpu.matmul %get3A_441, %get3A_436, %dot_general3A_442 {dimension_numbers = #tpu.dot_dimension_numbers<[1], [1], [0], [0], [0, 0, 1, 0], [], []>, transpose_lhs_hint = false} : vector<16x64xf32>, vector<200x64xf32>, vector<16x200xf32> -> vector<16x200xf32>
    %mul3A_444 = arith.constant 1.250000e-01 : f32
    %mul3A_445 = vector.broadcast %mul3A_444 : f32 to vector<16x200xf32>
    %mul3A_446 = arith.mulf %dot_general3A_443, %mul3A_445 : vector<16x200xf32>
    %reduce_max3A_447 = arith.constant dense<0xFF800000> : vector<16xf32>
    %reduce_max3A_448 = vector.multi_reduction <maximumf>, %mul3A_446, %reduce_max3A_447 [1] : vector<16x200xf32> to vector<16xf32>
    %broadcast_in_dim3A_449 = vector.shape_cast %reduce_max3A_448 : vector<16xf32> to vector<16x1xf32>
    %sub3A_450 = vector.broadcast %broadcast_in_dim3A_449 : vector<16x1xf32> to vector<16x200xf32>
    %sub3A_451 = arith.subf %mul3A_446, %sub3A_450 : vector<16x200xf32>
    %exp3A_452 = math.exp %sub3A_451 : vector<16x200xf32>
    %reduce_sum3A_453 = arith.constant dense<0.000000e+00> : vector<16xf32>
    %reduce_sum3A_454 = vector.multi_reduction <add>, %exp3A_452, %reduce_sum3A_453 [1] : vector<16x200xf32> to vector<16xf32>
    %broadcast_in_dim3A_455 = vector.shape_cast %reduce_sum3A_454 : vector<16xf32> to vector<16x1xf32>
    %div3A_456 = vector.broadcast %broadcast_in_dim3A_455 : vector<16x1xf32> to vector<16x200xf32>
    %div3A_457 = arith.divf %exp3A_452, %div3A_456 : vector<16x200xf32>
    %dot_general3A_458 = arith.constant dense<0.000000e+00> : vector<16x64xf32>
    %dot_general3A_459 = tpu.matmul %div3A_457, %get3A_436, %dot_general3A_458 {dimension_numbers = #tpu.dot_dimension_numbers<[1], [0], [0], [1], [0, 0, 1, 1], [], []>, transpose_lhs_hint = false} : vector<16x200xf32>, vector<200x64xf32>, vector<16x64xf32> -> vector<16x64xf32>
    %swap3A_460 = arith.constant 0 : index
    %swap3A_461 = arith.constant 13 : index
    %swap3A_462 = arith.constant 0 : index
    %swap3A_463 = vector.load %arg2[%swap3A_460, %swap3A_461, %swap3A_462] : memref<16x32x64xf32, #tpu.memory_space<vmem>>, vector<16x1x64xf32>
    %swap3A_464 = vector.shape_cast %swap3A_463 : vector<16x1x64xf32> to vector<16x64xf32>
    %swap3A_465 = vector.shape_cast %dot_general3A_459 : vector<16x64xf32> to vector<16x1x64xf32>
    tpu.vector_store %arg2[%swap3A_460, %swap3A_461, %swap3A_462], %swap3A_465 {strides = array<i32>} : memref<16x32x64xf32, #tpu.memory_space<vmem>>, vector<16x1x64xf32>,
    %get3A_466 = arith.constant 14 : index
    %get3A_467 = arith.constant 0 : index
    %get3A_468 = arith.constant 0 : index
    %get3A_469 = vector.load %arg0[%get3A_466, %get3A_467, %get3A_468] : memref<32x200x64xf32, #tpu.memory_space<vmem>>, vector<1x200x64xf32>
    %get3A_470 = vector.shape_cast %get3A_469 : vector<1x200x64xf32> to vector<200x64xf32>
    %get3A_471 = arith.constant 14 : index
    %get3A_472 = arith.constant 0 : index
    %get3A_473 = arith.constant 0 : index
    %get3A_474 = vector.load %arg1[%get3A_471, %get3A_472, %get3A_473] : memref<32x16x64xf32, #tpu.memory_space<vmem>>, vector<1x16x64xf32>
    %get3A_475 = vector.shape_cast %get3A_474 : vector<1x16x64xf32> to vector<16x64xf32>
    %dot_general3A_476 = arith.constant dense<0.000000e+00> : vector<16x200xf32>
    %dot_general3A_477 = tpu.matmul %get3A_475, %get3A_470, %dot_general3A_476 {dimension_numbers = #tpu.dot_dimension_numbers<[1], [1], [0], [0], [0, 0, 1, 0], [], []>, transpose_lhs_hint = false} : vector<16x64xf32>, vector<200x64xf32>, vector<16x200xf32> -> vector<16x200xf32>
    %mul3A_478 = arith.constant 1.250000e-01 : f32
    %mul3A_479 = vector.broadcast %mul3A_478 : f32 to vector<16x200xf32>
    %mul3A_480 = arith.mulf %dot_general3A_477, %mul3A_479 : vector<16x200xf32>
    %reduce_max3A_481 = arith.constant dense<0xFF800000> : vector<16xf32>
    %reduce_max3A_482 = vector.multi_reduction <maximumf>, %mul3A_480, %reduce_max3A_481 [1] : vector<16x200xf32> to vector<16xf32>
    %broadcast_in_dim3A_483 = vector.shape_cast %reduce_max3A_482 : vector<16xf32> to vector<16x1xf32>
    %sub3A_484 = vector.broadcast %broadcast_in_dim3A_483 : vector<16x1xf32> to vector<16x200xf32>
    %sub3A_485 = arith.subf %mul3A_480, %sub3A_484 : vector<16x200xf32>
    %exp3A_486 = math.exp %sub3A_485 : vector<16x200xf32>
    %reduce_sum3A_487 = arith.constant dense<0.000000e+00> : vector<16xf32>
    %reduce_sum3A_488 = vector.multi_reduction <add>, %exp3A_486, %reduce_sum3A_487 [1] : vector<16x200xf32> to vector<16xf32>
    %broadcast_in_dim3A_489 = vector.shape_cast %reduce_sum3A_488 : vector<16xf32> to vector<16x1xf32>
    %div3A_490 = vector.broadcast %broadcast_in_dim3A_489 : vector<16x1xf32> to vector<16x200xf32>
    %div3A_491 = arith.divf %exp3A_486, %div3A_490 : vector<16x200xf32>
    %dot_general3A_492 = arith.constant dense<0.000000e+00> : vector<16x64xf32>
    %dot_general3A_493 = tpu.matmul %div3A_491, %get3A_470, %dot_general3A_492 {dimension_numbers = #tpu.dot_dimension_numbers<[1], [0], [0], [1], [0, 0, 1, 1], [], []>, transpose_lhs_hint = false} : vector<16x200xf32>, vector<200x64xf32>, vector<16x64xf32> -> vector<16x64xf32>
    %swap3A_494 = arith.constant 0 : index
    %swap3A_495 = arith.constant 14 : index
    %swap3A_496 = arith.constant 0 : index
    %swap3A_497 = vector.load %arg2[%swap3A_494, %swap3A_495, %swap3A_496] : memref<16x32x64xf32, #tpu.memory_space<vmem>>, vector<16x1x64xf32>
    %swap3A_498 = vector.shape_cast %swap3A_497 : vector<16x1x64xf32> to vector<16x64xf32>
    %swap3A_499 = vector.shape_cast %dot_general3A_493 : vector<16x64xf32> to vector<16x1x64xf32>
    tpu.vector_store %arg2[%swap3A_494, %swap3A_495, %swap3A_496], %swap3A_499 {strides = array<i32>} : memref<16x32x64xf32, #tpu.memory_space<vmem>>, vector<16x1x64xf32>,
    %get3A_500 = arith.constant 15 : index
    %get3A_501 = arith.constant 0 : index
    %get3A_502 = arith.constant 0 : index
    %get3A_503 = vector.load %arg0[%get3A_500, %get3A_501, %get3A_502] : memref<32x200x64xf32, #tpu.memory_space<vmem>>, vector<1x200x64xf32>
    %get3A_504 = vector.shape_cast %get3A_503 : vector<1x200x64xf32> to vector<200x64xf32>
    %get3A_505 = arith.constant 15 : index
    %get3A_506 = arith.constant 0 : index
    %get3A_507 = arith.constant 0 : index
    %get3A_508 = vector.load %arg1[%get3A_505, %get3A_506, %get3A_507] : memref<32x16x64xf32, #tpu.memory_space<vmem>>, vector<1x16x64xf32>
    %get3A_509 = vector.shape_cast %get3A_508 : vector<1x16x64xf32> to vector<16x64xf32>
    %dot_general3A_510 = arith.constant dense<0.000000e+00> : vector<16x200xf32>
    %dot_general3A_511 = tpu.matmul %get3A_509, %get3A_504, %dot_general3A_510 {dimension_numbers = #tpu.dot_dimension_numbers<[1], [1], [0], [0], [0, 0, 1, 0], [], []>, transpose_lhs_hint = false} : vector<16x64xf32>, vector<200x64xf32>, vector<16x200xf32> -> vector<16x200xf32>
    %mul3A_512 = arith.constant 1.250000e-01 : f32
    %mul3A_513 = vector.broadcast %mul3A_512 : f32 to vector<16x200xf32>
    %mul3A_514 = arith.mulf %dot_general3A_511, %mul3A_513 : vector<16x200xf32>
    %reduce_max3A_515 = arith.constant dense<0xFF800000> : vector<16xf32>
    %reduce_max3A_516 = vector.multi_reduction <maximumf>, %mul3A_514, %reduce_max3A_515 [1] : vector<16x200xf32> to vector<16xf32>
    %broadcast_in_dim3A_517 = vector.shape_cast %reduce_max3A_516 : vector<16xf32> to vector<16x1xf32>
    %sub3A_518 = vector.broadcast %broadcast_in_dim3A_517 : vector<16x1xf32> to vector<16x200xf32>
    %sub3A_519 = arith.subf %mul3A_514, %sub3A_518 : vector<16x200xf32>
    %exp3A_520 = math.exp %sub3A_519 : vector<16x200xf32>
    %reduce_sum3A_521 = arith.constant dense<0.000000e+00> : vector<16xf32>
    %reduce_sum3A_522 = vector.multi_reduction <add>, %exp3A_520, %reduce_sum3A_521 [1] : vector<16x200xf32> to vector<16xf32>
    %broadcast_in_dim3A_523 = vector.shape_cast %reduce_sum3A_522 : vector<16xf32> to vector<16x1xf32>
    %div3A_524 = vector.broadcast %broadcast_in_dim3A_523 : vector<16x1xf32> to vector<16x200xf32>
    %div3A_525 = arith.divf %exp3A_520, %div3A_524 : vector<16x200xf32>
    %dot_general3A_526 = arith.constant dense<0.000000e+00> : vector<16x64xf32>
    %dot_general3A_527 = tpu.matmul %div3A_525, %get3A_504, %dot_general3A_526 {dimension_numbers = #tpu.dot_dimension_numbers<[1], [0], [0], [1], [0, 0, 1, 1], [], []>, transpose_lhs_hint = false} : vector<16x200xf32>, vector<200x64xf32>, vector<16x64xf32> -> vector<16x64xf32>
    %swap3A_528 = arith.constant 0 : index
    %swap3A_529 = arith.constant 15 : index
    %swap3A_530 = arith.constant 0 : index
    %swap3A_531 = vector.load %arg2[%swap3A_528, %swap3A_529, %swap3A_530] : memref<16x32x64xf32, #tpu.memory_space<vmem>>, vector<16x1x64xf32>
    %swap3A_532 = vector.shape_cast %swap3A_531 : vector<16x1x64xf32> to vector<16x64xf32>
    %swap3A_533 = vector.shape_cast %dot_general3A_527 : vector<16x64xf32> to vector<16x1x64xf32>
    tpu.vector_store %arg2[%swap3A_528, %swap3A_529, %swap3A_530], %swap3A_533 {strides = array<i32>} : memref<16x32x64xf32, #tpu.memory_space<vmem>>, vector<16x1x64xf32>,
    %get3A_534 = arith.constant 16 : index
    %get3A_535 = arith.constant 0 : index
    %get3A_536 = arith.constant 0 : index
    %get3A_537 = vector.load %arg0[%get3A_534, %get3A_535, %get3A_536] : memref<32x200x64xf32, #tpu.memory_space<vmem>>, vector<1x200x64xf32>
    %get3A_538 = vector.shape_cast %get3A_537 : vector<1x200x64xf32> to vector<200x64xf32>
    %get3A_539 = arith.constant 16 : index
    %get3A_540 = arith.constant 0 : index
    %get3A_541 = arith.constant 0 : index
    %get3A_542 = vector.load %arg1[%get3A_539, %get3A_540, %get3A_541] : memref<32x16x64xf32, #tpu.memory_space<vmem>>, vector<1x16x64xf32>
    %get3A_543 = vector.shape_cast %get3A_542 : vector<1x16x64xf32> to vector<16x64xf32>
    %dot_general3A_544 = arith.constant dense<0.000000e+00> : vector<16x200xf32>
    %dot_general3A_545 = tpu.matmul %get3A_543, %get3A_538, %dot_general3A_544 {dimension_numbers = #tpu.dot_dimension_numbers<[1], [1], [0], [0], [0, 0, 1, 0], [], []>, transpose_lhs_hint = false} : vector<16x64xf32>, vector<200x64xf32>, vector<16x200xf32> -> vector<16x200xf32>
    %mul3A_546 = arith.constant 1.250000e-01 : f32
    %mul3A_547 = vector.broadcast %mul3A_546 : f32 to vector<16x200xf32>
    %mul3A_548 = arith.mulf %dot_general3A_545, %mul3A_547 : vector<16x200xf32>
    %reduce_max3A_549 = arith.constant dense<0xFF800000> : vector<16xf32>
    %reduce_max3A_550 = vector.multi_reduction <maximumf>, %mul3A_548, %reduce_max3A_549 [1] : vector<16x200xf32> to vector<16xf32>
    %broadcast_in_dim3A_551 = vector.shape_cast %reduce_max3A_550 : vector<16xf32> to vector<16x1xf32>
    %sub3A_552 = vector.broadcast %broadcast_in_dim3A_551 : vector<16x1xf32> to vector<16x200xf32>
    %sub3A_553 = arith.subf %mul3A_548, %sub3A_552 : vector<16x200xf32>
    %exp3A_554 = math.exp %sub3A_553 : vector<16x200xf32>
    %reduce_sum3A_555 = arith.constant dense<0.000000e+00> : vector<16xf32>
    %reduce_sum3A_556 = vector.multi_reduction <add>, %exp3A_554, %reduce_sum3A_555 [1] : vector<16x200xf32> to vector<16xf32>
    %broadcast_in_dim3A_557 = vector.shape_cast %reduce_sum3A_556 : vector<16xf32> to vector<16x1xf32>
    %div3A_558 = vector.broadcast %broadcast_in_dim3A_557 : vector<16x1xf32> to vector<16x200xf32>
    %div3A_559 = arith.divf %exp3A_554, %div3A_558 : vector<16x200xf32>
    %dot_general3A_560 = arith.constant dense<0.000000e+00> : vector<16x64xf32>
    %dot_general3A_561 = tpu.matmul %div3A_559, %get3A_538, %dot_general3A_560 {dimension_numbers = #tpu.dot_dimension_numbers<[1], [0], [0], [1], [0, 0, 1, 1], [], []>, transpose_lhs_hint = false} : vector<16x200xf32>, vector<200x64xf32>, vector<16x64xf32> -> vector<16x64xf32>
    %swap3A_562 = arith.constant 0 : index
    %swap3A_563 = arith.constant 16 : index
    %swap3A_564 = arith.constant 0 : index
    %swap3A_565 = vector.load %arg2[%swap3A_562, %swap3A_563, %swap3A_564] : memref<16x32x64xf32, #tpu.memory_space<vmem>>, vector<16x1x64xf32>
    %swap3A_566 = vector.shape_cast %swap3A_565 : vector<16x1x64xf32> to vector<16x64xf32>
    %swap3A_567 = vector.shape_cast %dot_general3A_561 : vector<16x64xf32> to vector<16x1x64xf32>
    tpu.vector_store %arg2[%swap3A_562, %swap3A_563, %swap3A_564], %swap3A_567 {strides = array<i32>} : memref<16x32x64xf32, #tpu.memory_space<vmem>>, vector<16x1x64xf32>,
    %get3A_568 = arith.constant 17 : index
    %get3A_569 = arith.constant 0 : index
    %get3A_570 = arith.constant 0 : index
    %get3A_571 = vector.load %arg0[%get3A_568, %get3A_569, %get3A_570] : memref<32x200x64xf32, #tpu.memory_space<vmem>>, vector<1x200x64xf32>
    %get3A_572 = vector.shape_cast %get3A_571 : vector<1x200x64xf32> to vector<200x64xf32>
    %get3A_573 = arith.constant 17 : index
    %get3A_574 = arith.constant 0 : index
    %get3A_575 = arith.constant 0 : index
    %get3A_576 = vector.load %arg1[%get3A_573, %get3A_574, %get3A_575] : memref<32x16x64xf32, #tpu.memory_space<vmem>>, vector<1x16x64xf32>
    %get3A_577 = vector.shape_cast %get3A_576 : vector<1x16x64xf32> to vector<16x64xf32>
    %dot_general3A_578 = arith.constant dense<0.000000e+00> : vector<16x200xf32>
    %dot_general3A_579 = tpu.matmul %get3A_577, %get3A_572, %dot_general3A_578 {dimension_numbers = #tpu.dot_dimension_numbers<[1], [1], [0], [0], [0, 0, 1, 0], [], []>, transpose_lhs_hint = false} : vector<16x64xf32>, vector<200x64xf32>, vector<16x200xf32> -> vector<16x200xf32>
    %mul3A_580 = arith.constant 1.250000e-01 : f32
    %mul3A_581 = vector.broadcast %mul3A_580 : f32 to vector<16x200xf32>
    %mul3A_582 = arith.mulf %dot_general3A_579, %mul3A_581 : vector<16x200xf32>
    %reduce_max3A_583 = arith.constant dense<0xFF800000> : vector<16xf32>
    %reduce_max3A_584 = vector.multi_reduction <maximumf>, %mul3A_582, %reduce_max3A_583 [1] : vector<16x200xf32> to vector<16xf32>
    %broadcast_in_dim3A_585 = vector.shape_cast %reduce_max3A_584 : vector<16xf32> to vector<16x1xf32>
    %sub3A_586 = vector.broadcast %broadcast_in_dim3A_585 : vector<16x1xf32> to vector<16x200xf32>
    %sub3A_587 = arith.subf %mul3A_582, %sub3A_586 : vector<16x200xf32>
    %exp3A_588 = math.exp %sub3A_587 : vector<16x200xf32>
    %reduce_sum3A_589 = arith.constant dense<0.000000e+00> : vector<16xf32>
    %reduce_sum3A_590 = vector.multi_reduction <add>, %exp3A_588, %reduce_sum3A_589 [1] : vector<16x200xf32> to vector<16xf32>
    %broadcast_in_dim3A_591 = vector.shape_cast %reduce_sum3A_590 : vector<16xf32> to vector<16x1xf32>
    %div3A_592 = vector.broadcast %broadcast_in_dim3A_591 : vector<16x1xf32> to vector<16x200xf32>
    %div3A_593 = arith.divf %exp3A_588, %div3A_592 : vector<16x200xf32>
    %dot_general3A_594 = arith.constant dense<0.000000e+00> : vector<16x64xf32>
    %dot_general3A_595 = tpu.matmul %div3A_593, %get3A_572, %dot_general3A_594 {dimension_numbers = #tpu.dot_dimension_numbers<[1], [0], [0], [1], [0, 0, 1, 1], [], []>, transpose_lhs_hint = false} : vector<16x200xf32>, vector<200x64xf32>, vector<16x64xf32> -> vector<16x64xf32>
    %swap3A_596 = arith.constant 0 : index
    %swap3A_597 = arith.constant 17 : index
    %swap3A_598 = arith.constant 0 : index
    %swap3A_599 = vector.load %arg2[%swap3A_596, %swap3A_597, %swap3A_598] : memref<16x32x64xf32, #tpu.memory_space<vmem>>, vector<16x1x64xf32>
    %swap3A_600 = vector.shape_cast %swap3A_599 : vector<16x1x64xf32> to vector<16x64xf32>
    %swap3A_601 = vector.shape_cast %dot_general3A_595 : vector<16x64xf32> to vector<16x1x64xf32>
    tpu.vector_store %arg2[%swap3A_596, %swap3A_597, %swap3A_598], %swap3A_601 {strides = array<i32>} : memref<16x32x64xf32, #tpu.memory_space<vmem>>, vector<16x1x64xf32>,
    %get3A_602 = arith.constant 18 : index
    %get3A_603 = arith.constant 0 : index
    %get3A_604 = arith.constant 0 : index
    %get3A_605 = vector.load %arg0[%get3A_602, %get3A_603, %get3A_604] : memref<32x200x64xf32, #tpu.memory_space<vmem>>, vector<1x200x64xf32>
    %get3A_606 = vector.shape_cast %get3A_605 : vector<1x200x64xf32> to vector<200x64xf32>
    %get3A_607 = arith.constant 18 : index
    %get3A_608 = arith.constant 0 : index
    %get3A_609 = arith.constant 0 : index
    %get3A_610 = vector.load %arg1[%get3A_607, %get3A_608, %get3A_609] : memref<32x16x64xf32, #tpu.memory_space<vmem>>, vector<1x16x64xf32>
    %get3A_611 = vector.shape_cast %get3A_610 : vector<1x16x64xf32> to vector<16x64xf32>
    %dot_general3A_612 = arith.constant dense<0.000000e+00> : vector<16x200xf32>
    %dot_general3A_613 = tpu.matmul %get3A_611, %get3A_606, %dot_general3A_612 {dimension_numbers = #tpu.dot_dimension_numbers<[1], [1], [0], [0], [0, 0, 1, 0], [], []>, transpose_lhs_hint = false} : vector<16x64xf32>, vector<200x64xf32>, vector<16x200xf32> -> vector<16x200xf32>
    %mul3A_614 = arith.constant 1.250000e-01 : f32
    %mul3A_615 = vector.broadcast %mul3A_614 : f32 to vector<16x200xf32>
    %mul3A_616 = arith.mulf %dot_general3A_613, %mul3A_615 : vector<16x200xf32>
    %reduce_max3A_617 = arith.constant dense<0xFF800000> : vector<16xf32>
    %reduce_max3A_618 = vector.multi_reduction <maximumf>, %mul3A_616, %reduce_max3A_617 [1] : vector<16x200xf32> to vector<16xf32>
    %broadcast_in_dim3A_619 = vector.shape_cast %reduce_max3A_618 : vector<16xf32> to vector<16x1xf32>
    %sub3A_620 = vector.broadcast %broadcast_in_dim3A_619 : vector<16x1xf32> to vector<16x200xf32>
    %sub3A_621 = arith.subf %mul3A_616, %sub3A_620 : vector<16x200xf32>
    %exp3A_622 = math.exp %sub3A_621 : vector<16x200xf32>
    %reduce_sum3A_623 = arith.constant dense<0.000000e+00> : vector<16xf32>
    %reduce_sum3A_624 = vector.multi_reduction <add>, %exp3A_622, %reduce_sum3A_623 [1] : vector<16x200xf32> to vector<16xf32>
    %broadcast_in_dim3A_625 = vector.shape_cast %reduce_sum3A_624 : vector<16xf32> to vector<16x1xf32>
    %div3A_626 = vector.broadcast %broadcast_in_dim3A_625 : vector<16x1xf32> to vector<16x200xf32>
    %div3A_627 = arith.divf %exp3A_622, %div3A_626 : vector<16x200xf32>
    %dot_general3A_628 = arith.constant dense<0.000000e+00> : vector<16x64xf32>
    %dot_general3A_629 = tpu.matmul %div3A_627, %get3A_606, %dot_general3A_628 {dimension_numbers = #tpu.dot_dimension_numbers<[1], [0], [0], [1], [0, 0, 1, 1], [], []>, transpose_lhs_hint = false} : vector<16x200xf32>, vector<200x64xf32>, vector<16x64xf32> -> vector<16x64xf32>
    %swap3A_630 = arith.constant 0 : index
    %swap3A_631 = arith.constant 18 : index
    %swap3A_632 = arith.constant 0 : index
    %swap3A_633 = vector.load %arg2[%swap3A_630, %swap3A_631, %swap3A_632] : memref<16x32x64xf32, #tpu.memory_space<vmem>>, vector<16x1x64xf32>
    %swap3A_634 = vector.shape_cast %swap3A_633 : vector<16x1x64xf32> to vector<16x64xf32>
    %swap3A_635 = vector.shape_cast %dot_general3A_629 : vector<16x64xf32> to vector<16x1x64xf32>
    tpu.vector_store %arg2[%swap3A_630, %swap3A_631, %swap3A_632], %swap3A_635 {strides = array<i32>} : memref<16x32x64xf32, #tpu.memory_space<vmem>>, vector<16x1x64xf32>,
    %get3A_636 = arith.constant 19 : index
    %get3A_637 = arith.constant 0 : index
    %get3A_638 = arith.constant 0 : index
    %get3A_639 = vector.load %arg0[%get3A_636, %get3A_637, %get3A_638] : memref<32x200x64xf32, #tpu.memory_space<vmem>>, vector<1x200x64xf32>
    %get3A_640 = vector.shape_cast %get3A_639 : vector<1x200x64xf32> to vector<200x64xf32>
    %get3A_641 = arith.constant 19 : index
    %get3A_642 = arith.constant 0 : index
    %get3A_643 = arith.constant 0 : index
    %get3A_644 = vector.load %arg1[%get3A_641, %get3A_642, %get3A_643] : memref<32x16x64xf32, #tpu.memory_space<vmem>>, vector<1x16x64xf32>
    %get3A_645 = vector.shape_cast %get3A_644 : vector<1x16x64xf32> to vector<16x64xf32>
    %dot_general3A_646 = arith.constant dense<0.000000e+00> : vector<16x200xf32>
    %dot_general3A_647 = tpu.matmul %get3A_645, %get3A_640, %dot_general3A_646 {dimension_numbers = #tpu.dot_dimension_numbers<[1], [1], [0], [0], [0, 0, 1, 0], [], []>, transpose_lhs_hint = false} : vector<16x64xf32>, vector<200x64xf32>, vector<16x200xf32> -> vector<16x200xf32>
    %mul3A_648 = arith.constant 1.250000e-01 : f32
    %mul3A_649 = vector.broadcast %mul3A_648 : f32 to vector<16x200xf32>
    %mul3A_650 = arith.mulf %dot_general3A_647, %mul3A_649 : vector<16x200xf32>
    %reduce_max3A_651 = arith.constant dense<0xFF800000> : vector<16xf32>
    %reduce_max3A_652 = vector.multi_reduction <maximumf>, %mul3A_650, %reduce_max3A_651 [1] : vector<16x200xf32> to vector<16xf32>
    %broadcast_in_dim3A_653 = vector.shape_cast %reduce_max3A_652 : vector<16xf32> to vector<16x1xf32>
    %sub3A_654 = vector.broadcast %broadcast_in_dim3A_653 : vector<16x1xf32> to vector<16x200xf32>
    %sub3A_655 = arith.subf %mul3A_650, %sub3A_654 : vector<16x200xf32>
    %exp3A_656 = math.exp %sub3A_655 : vector<16x200xf32>
    %reduce_sum3A_657 = arith.constant dense<0.000000e+00> : vector<16xf32>
    %reduce_sum3A_658 = vector.multi_reduction <add>, %exp3A_656, %reduce_sum3A_657 [1] : vector<16x200xf32> to vector<16xf32>
    %broadcast_in_dim3A_659 = vector.shape_cast %reduce_sum3A_658 : vector<16xf32> to vector<16x1xf32>
    %div3A_660 = vector.broadcast %broadcast_in_dim3A_659 : vector<16x1xf32> to vector<16x200xf32>
    %div3A_661 = arith.divf %exp3A_656, %div3A_660 : vector<16x200xf32>
    %dot_general3A_662 = arith.constant dense<0.000000e+00> : vector<16x64xf32>
    %dot_general3A_663 = tpu.matmul %div3A_661, %get3A_640, %dot_general3A_662 {dimension_numbers = #tpu.dot_dimension_numbers<[1], [0], [0], [1], [0, 0, 1, 1], [], []>, transpose_lhs_hint = false} : vector<16x200xf32>, vector<200x64xf32>, vector<16x64xf32> -> vector<16x64xf32>
    %swap3A_664 = arith.constant 0 : index
    %swap3A_665 = arith.constant 19 : index
    %swap3A_666 = arith.constant 0 : index
    %swap3A_667 = vector.load %arg2[%swap3A_664, %swap3A_665, %swap3A_666] : memref<16x32x64xf32, #tpu.memory_space<vmem>>, vector<16x1x64xf32>
    %swap3A_668 = vector.shape_cast %swap3A_667 : vector<16x1x64xf32> to vector<16x64xf32>
    %swap3A_669 = vector.shape_cast %dot_general3A_663 : vector<16x64xf32> to vector<16x1x64xf32>
    tpu.vector_store %arg2[%swap3A_664, %swap3A_665, %swap3A_666], %swap3A_669 {strides = array<i32>} : memref<16x32x64xf32, #tpu.memory_space<vmem>>, vector<16x1x64xf32>,
    %get3A_670 = arith.constant 20 : index
    %get3A_671 = arith.constant 0 : index
    %get3A_672 = arith.constant 0 : index
    %get3A_673 = vector.load %arg0[%get3A_670, %get3A_671, %get3A_672] : memref<32x200x64xf32, #tpu.memory_space<vmem>>, vector<1x200x64xf32>
    %get3A_674 = vector.shape_cast %get3A_673 : vector<1x200x64xf32> to vector<200x64xf32>
    %get3A_675 = arith.constant 20 : index
    %get3A_676 = arith.constant 0 : index
    %get3A_677 = arith.constant 0 : index
    %get3A_678 = vector.load %arg1[%get3A_675, %get3A_676, %get3A_677] : memref<32x16x64xf32, #tpu.memory_space<vmem>>, vector<1x16x64xf32>
    %get3A_679 = vector.shape_cast %get3A_678 : vector<1x16x64xf32> to vector<16x64xf32>
    %dot_general3A_680 = arith.constant dense<0.000000e+00> : vector<16x200xf32>
    %dot_general3A_681 = tpu.matmul %get3A_679, %get3A_674, %dot_general3A_680 {dimension_numbers = #tpu.dot_dimension_numbers<[1], [1], [0], [0], [0, 0, 1, 0], [], []>, transpose_lhs_hint = false} : vector<16x64xf32>, vector<200x64xf32>, vector<16x200xf32> -> vector<16x200xf32>
    %mul3A_682 = arith.constant 1.250000e-01 : f32
    %mul3A_683 = vector.broadcast %mul3A_682 : f32 to vector<16x200xf32>
    %mul3A_684 = arith.mulf %dot_general3A_681, %mul3A_683 : vector<16x200xf32>
    %reduce_max3A_685 = arith.constant dense<0xFF800000> : vector<16xf32>
    %reduce_max3A_686 = vector.multi_reduction <maximumf>, %mul3A_684, %reduce_max3A_685 [1] : vector<16x200xf32> to vector<16xf32>
    %broadcast_in_dim3A_687 = vector.shape_cast %reduce_max3A_686 : vector<16xf32> to vector<16x1xf32>
    %sub3A_688 = vector.broadcast %broadcast_in_dim3A_687 : vector<16x1xf32> to vector<16x200xf32>
    %sub3A_689 = arith.subf %mul3A_684, %sub3A_688 : vector<16x200xf32>
    %exp3A_690 = math.exp %sub3A_689 : vector<16x200xf32>
    %reduce_sum3A_691 = arith.constant dense<0.000000e+00> : vector<16xf32>
    %reduce_sum3A_692 = vector.multi_reduction <add>, %exp3A_690, %reduce_sum3A_691 [1] : vector<16x200xf32> to vector<16xf32>
    %broadcast_in_dim3A_693 = vector.shape_cast %reduce_sum3A_692 : vector<16xf32> to vector<16x1xf32>
    %div3A_694 = vector.broadcast %broadcast_in_dim3A_693 : vector<16x1xf32> to vector<16x200xf32>
    %div3A_695 = arith.divf %exp3A_690, %div3A_694 : vector<16x200xf32>
    %dot_general3A_696 = arith.constant dense<0.000000e+00> : vector<16x64xf32>
    %dot_general3A_697 = tpu.matmul %div3A_695, %get3A_674, %dot_general3A_696 {dimension_numbers = #tpu.dot_dimension_numbers<[1], [0], [0], [1], [0, 0, 1, 1], [], []>, transpose_lhs_hint = false} : vector<16x200xf32>, vector<200x64xf32>, vector<16x64xf32> -> vector<16x64xf32>
    %swap3A_698 = arith.constant 0 : index
    %swap3A_699 = arith.constant 20 : index
    %swap3A_700 = arith.constant 0 : index
    %swap3A_701 = vector.load %arg2[%swap3A_698, %swap3A_699, %swap3A_700] : memref<16x32x64xf32, #tpu.memory_space<vmem>>, vector<16x1x64xf32>
    %swap3A_702 = vector.shape_cast %swap3A_701 : vector<16x1x64xf32> to vector<16x64xf32>
    %swap3A_703 = vector.shape_cast %dot_general3A_697 : vector<16x64xf32> to vector<16x1x64xf32>
    tpu.vector_store %arg2[%swap3A_698, %swap3A_699, %swap3A_700], %swap3A_703 {strides = array<i32>} : memref<16x32x64xf32, #tpu.memory_space<vmem>>, vector<16x1x64xf32>,
    %get3A_704 = arith.constant 21 : index
    %get3A_705 = arith.constant 0 : index
    %get3A_706 = arith.constant 0 : index
    %get3A_707 = vector.load %arg0[%get3A_704, %get3A_705, %get3A_706] : memref<32x200x64xf32, #tpu.memory_space<vmem>>, vector<1x200x64xf32>
    %get3A_708 = vector.shape_cast %get3A_707 : vector<1x200x64xf32> to vector<200x64xf32>
    %get3A_709 = arith.constant 21 : index
    %get3A_710 = arith.constant 0 : index
    %get3A_711 = arith.constant 0 : index
    %get3A_712 = vector.load %arg1[%get3A_709, %get3A_710, %get3A_711] : memref<32x16x64xf32, #tpu.memory_space<vmem>>, vector<1x16x64xf32>
    %get3A_713 = vector.shape_cast %get3A_712 : vector<1x16x64xf32> to vector<16x64xf32>
    %dot_general3A_714 = arith.constant dense<0.000000e+00> : vector<16x200xf32>
    %dot_general3A_715 = tpu.matmul %get3A_713, %get3A_708, %dot_general3A_714 {dimension_numbers = #tpu.dot_dimension_numbers<[1], [1], [0], [0], [0, 0, 1, 0], [], []>, transpose_lhs_hint = false} : vector<16x64xf32>, vector<200x64xf32>, vector<16x200xf32> -> vector<16x200xf32>
    %mul3A_716 = arith.constant 1.250000e-01 : f32
    %mul3A_717 = vector.broadcast %mul3A_716 : f32 to vector<16x200xf32>
    %mul3A_718 = arith.mulf %dot_general3A_715, %mul3A_717 : vector<16x200xf32>
    %reduce_max3A_719 = arith.constant dense<0xFF800000> : vector<16xf32>
    %reduce_max3A_720 = vector.multi_reduction <maximumf>, %mul3A_718, %reduce_max3A_719 [1] : vector<16x200xf32> to vector<16xf32>
    %broadcast_in_dim3A_721 = vector.shape_cast %reduce_max3A_720 : vector<16xf32> to vector<16x1xf32>
    %sub3A_722 = vector.broadcast %broadcast_in_dim3A_721 : vector<16x1xf32> to vector<16x200xf32>
    %sub3A_723 = arith.subf %mul3A_718, %sub3A_722 : vector<16x200xf32>
    %exp3A_724 = math.exp %sub3A_723 : vector<16x200xf32>
    %reduce_sum3A_725 = arith.constant dense<0.000000e+00> : vector<16xf32>
    %reduce_sum3A_726 = vector.multi_reduction <add>, %exp3A_724, %reduce_sum3A_725 [1] : vector<16x200xf32> to vector<16xf32>
    %broadcast_in_dim3A_727 = vector.shape_cast %reduce_sum3A_726 : vector<16xf32> to vector<16x1xf32>
    %div3A_728 = vector.broadcast %broadcast_in_dim3A_727 : vector<16x1xf32> to vector<16x200xf32>
    %div3A_729 = arith.divf %exp3A_724, %div3A_728 : vector<16x200xf32>
    %dot_general3A_730 = arith.constant dense<0.000000e+00> : vector<16x64xf32>
    %dot_general3A_731 = tpu.matmul %div3A_729, %get3A_708, %dot_general3A_730 {dimension_numbers = #tpu.dot_dimension_numbers<[1], [0], [0], [1], [0, 0, 1, 1], [], []>, transpose_lhs_hint = false} : vector<16x200xf32>, vector<200x64xf32>, vector<16x64xf32> -> vector<16x64xf32>
    %swap3A_732 = arith.constant 0 : index
    %swap3A_733 = arith.constant 21 : index
    %swap3A_734 = arith.constant 0 : index
    %swap3A_735 = vector.load %arg2[%swap3A_732, %swap3A_733, %swap3A_734] : memref<16x32x64xf32, #tpu.memory_space<vmem>>, vector<16x1x64xf32>
    %swap3A_736 = vector.shape_cast %swap3A_735 : vector<16x1x64xf32> to vector<16x64xf32>
    %swap3A_737 = vector.shape_cast %dot_general3A_731 : vector<16x64xf32> to vector<16x1x64xf32>
    tpu.vector_store %arg2[%swap3A_732, %swap3A_733, %swap3A_734], %swap3A_737 {strides = array<i32>} : memref<16x32x64xf32, #tpu.memory_space<vmem>>, vector<16x1x64xf32>,
    %get3A_738 = arith.constant 22 : index
    %get3A_739 = arith.constant 0 : index
    %get3A_740 = arith.constant 0 : index
    %get3A_741 = vector.load %arg0[%get3A_738, %get3A_739, %get3A_740] : memref<32x200x64xf32, #tpu.memory_space<vmem>>, vector<1x200x64xf32>
    %get3A_742 = vector.shape_cast %get3A_741 : vector<1x200x64xf32> to vector<200x64xf32>
    %get3A_743 = arith.constant 22 : index
    %get3A_744 = arith.constant 0 : index
    %get3A_745 = arith.constant 0 : index
    %get3A_746 = vector.load %arg1[%get3A_743, %get3A_744, %get3A_745] : memref<32x16x64xf32, #tpu.memory_space<vmem>>, vector<1x16x64xf32>
    %get3A_747 = vector.shape_cast %get3A_746 : vector<1x16x64xf32> to vector<16x64xf32>
    %dot_general3A_748 = arith.constant dense<0.000000e+00> : vector<16x200xf32>
    %dot_general3A_749 = tpu.matmul %get3A_747, %get3A_742, %dot_general3A_748 {dimension_numbers = #tpu.dot_dimension_numbers<[1], [1], [0], [0], [0, 0, 1, 0], [], []>, transpose_lhs_hint = false} : vector<16x64xf32>, vector<200x64xf32>, vector<16x200xf32> -> vector<16x200xf32>
    %mul3A_750 = arith.constant 1.250000e-01 : f32
    %mul3A_751 = vector.broadcast %mul3A_750 : f32 to vector<16x200xf32>
    %mul3A_752 = arith.mulf %dot_general3A_749, %mul3A_751 : vector<16x200xf32>
    %reduce_max3A_753 = arith.constant dense<0xFF800000> : vector<16xf32>
    %reduce_max3A_754 = vector.multi_reduction <maximumf>, %mul3A_752, %reduce_max3A_753 [1] : vector<16x200xf32> to vector<16xf32>
    %broadcast_in_dim3A_755 = vector.shape_cast %reduce_max3A_754 : vector<16xf32> to vector<16x1xf32>
    %sub3A_756 = vector.broadcast %broadcast_in_dim3A_755 : vector<16x1xf32> to vector<16x200xf32>
    %sub3A_757 = arith.subf %mul3A_752, %sub3A_756 : vector<16x200xf32>
    %exp3A_758 = math.exp %sub3A_757 : vector<16x200xf32>
    %reduce_sum3A_759 = arith.constant dense<0.000000e+00> : vector<16xf32>
    %reduce_sum3A_760 = vector.multi_reduction <add>, %exp3A_758, %reduce_sum3A_759 [1] : vector<16x200xf32> to vector<16xf32>
    %broadcast_in_dim3A_761 = vector.shape_cast %reduce_sum3A_760 : vector<16xf32> to vector<16x1xf32>
    %div3A_762 = vector.broadcast %broadcast_in_dim3A_761 : vector<16x1xf32> to vector<16x200xf32>
    %div3A_763 = arith.divf %exp3A_758, %div3A_762 : vector<16x200xf32>
    %dot_general3A_764 = arith.constant dense<0.000000e+00> : vector<16x64xf32>
    %dot_general3A_765 = tpu.matmul %div3A_763, %get3A_742, %dot_general3A_764 {dimension_numbers = #tpu.dot_dimension_numbers<[1], [0], [0], [1], [0, 0, 1, 1], [], []>, transpose_lhs_hint = false} : vector<16x200xf32>, vector<200x64xf32>, vector<16x64xf32> -> vector<16x64xf32>
    %swap3A_766 = arith.constant 0 : index
    %swap3A_767 = arith.constant 22 : index
    %swap3A_768 = arith.constant 0 : index
    %swap3A_769 = vector.load %arg2[%swap3A_766, %swap3A_767, %swap3A_768] : memref<16x32x64xf32, #tpu.memory_space<vmem>>, vector<16x1x64xf32>
    %swap3A_770 = vector.shape_cast %swap3A_769 : vector<16x1x64xf32> to vector<16x64xf32>
    %swap3A_771 = vector.shape_cast %dot_general3A_765 : vector<16x64xf32> to vector<16x1x64xf32>
    tpu.vector_store %arg2[%swap3A_766, %swap3A_767, %swap3A_768], %swap3A_771 {strides = array<i32>} : memref<16x32x64xf32, #tpu.memory_space<vmem>>, vector<16x1x64xf32>,
    %get3A_772 = arith.constant 23 : index
    %get3A_773 = arith.constant 0 : index
    %get3A_774 = arith.constant 0 : index
    %get3A_775 = vector.load %arg0[%get3A_772, %get3A_773, %get3A_774] : memref<32x200x64xf32, #tpu.memory_space<vmem>>, vector<1x200x64xf32>
    %get3A_776 = vector.shape_cast %get3A_775 : vector<1x200x64xf32> to vector<200x64xf32>
    %get3A_777 = arith.constant 23 : index
    %get3A_778 = arith.constant 0 : index
    %get3A_779 = arith.constant 0 : index
    %get3A_780 = vector.load %arg1[%get3A_777, %get3A_778, %get3A_779] : memref<32x16x64xf32, #tpu.memory_space<vmem>>, vector<1x16x64xf32>
    %get3A_781 = vector.shape_cast %get3A_780 : vector<1x16x64xf32> to vector<16x64xf32>
    %dot_general3A_782 = arith.constant dense<0.000000e+00> : vector<16x200xf32>
    %dot_general3A_783 = tpu.matmul %get3A_781, %get3A_776, %dot_general3A_782 {dimension_numbers = #tpu.dot_dimension_numbers<[1], [1], [0], [0], [0, 0, 1, 0], [], []>, transpose_lhs_hint = false} : vector<16x64xf32>, vector<200x64xf32>, vector<16x200xf32> -> vector<16x200xf32>
    %mul3A_784 = arith.constant 1.250000e-01 : f32
    %mul3A_785 = vector.broadcast %mul3A_784 : f32 to vector<16x200xf32>
    %mul3A_786 = arith.mulf %dot_general3A_783, %mul3A_785 : vector<16x200xf32>
    %reduce_max3A_787 = arith.constant dense<0xFF800000> : vector<16xf32>
    %reduce_max3A_788 = vector.multi_reduction <maximumf>, %mul3A_786, %reduce_max3A_787 [1] : vector<16x200xf32> to vector<16xf32>
    %broadcast_in_dim3A_789 = vector.shape_cast %reduce_max3A_788 : vector<16xf32> to vector<16x1xf32>
    %sub3A_790 = vector.broadcast %broadcast_in_dim3A_789 : vector<16x1xf32> to vector<16x200xf32>
    %sub3A_791 = arith.subf %mul3A_786, %sub3A_790 : vector<16x200xf32>
    %exp3A_792 = math.exp %sub3A_791 : vector<16x200xf32>
    %reduce_sum3A_793 = arith.constant dense<0.000000e+00> : vector<16xf32>
    %reduce_sum3A_794 = vector.multi_reduction <add>, %exp3A_792, %reduce_sum3A_793 [1] : vector<16x200xf32> to vector<16xf32>
    %broadcast_in_dim3A_795 = vector.shape_cast %reduce_sum3A_794 : vector<16xf32> to vector<16x1xf32>
    %div3A_796 = vector.broadcast %broadcast_in_dim3A_795 : vector<16x1xf32> to vector<16x200xf32>
    %div3A_797 = arith.divf %exp3A_792, %div3A_796 : vector<16x200xf32>
    %dot_general3A_798 = arith.constant dense<0.000000e+00> : vector<16x64xf32>
    %dot_general3A_799 = tpu.matmul %div3A_797, %get3A_776, %dot_general3A_798 {dimension_numbers = #tpu.dot_dimension_numbers<[1], [0], [0], [1], [0, 0, 1, 1], [], []>, transpose_lhs_hint = false} : vector<16x200xf32>, vector<200x64xf32>, vector<16x64xf32> -> vector<16x64xf32>
    %swap3A_800 = arith.constant 0 : index
    %swap3A_801 = arith.constant 23 : index
    %swap3A_802 = arith.constant 0 : index
    %swap3A_803 = vector.load %arg2[%swap3A_800, %swap3A_801, %swap3A_802] : memref<16x32x64xf32, #tpu.memory_space<vmem>>, vector<16x1x64xf32>
    %swap3A_804 = vector.shape_cast %swap3A_803 : vector<16x1x64xf32> to vector<16x64xf32>
    %swap3A_805 = vector.shape_cast %dot_general3A_799 : vector<16x64xf32> to vector<16x1x64xf32>
    tpu.vector_store %arg2[%swap3A_800, %swap3A_801, %swap3A_802], %swap3A_805 {strides = array<i32>} : memref<16x32x64xf32, #tpu.memory_space<vmem>>, vector<16x1x64xf32>,
    %get3A_806 = arith.constant 24 : index
    %get3A_807 = arith.constant 0 : index
    %get3A_808 = arith.constant 0 : index
    %get3A_809 = vector.load %arg0[%get3A_806, %get3A_807, %get3A_808] : memref<32x200x64xf32, #tpu.memory_space<vmem>>, vector<1x200x64xf32>
    %get3A_810 = vector.shape_cast %get3A_809 : vector<1x200x64xf32> to vector<200x64xf32>
    %get3A_811 = arith.constant 24 : index
    %get3A_812 = arith.constant 0 : index
    %get3A_813 = arith.constant 0 : index
    %get3A_814 = vector.load %arg1[%get3A_811, %get3A_812, %get3A_813] : memref<32x16x64xf32, #tpu.memory_space<vmem>>, vector<1x16x64xf32>
    %get3A_815 = vector.shape_cast %get3A_814 : vector<1x16x64xf32> to vector<16x64xf32>
    %dot_general3A_816 = arith.constant dense<0.000000e+00> : vector<16x200xf32>
    %dot_general3A_817 = tpu.matmul %get3A_815, %get3A_810, %dot_general3A_816 {dimension_numbers = #tpu.dot_dimension_numbers<[1], [1], [0], [0], [0, 0, 1, 0], [], []>, transpose_lhs_hint = false} : vector<16x64xf32>, vector<200x64xf32>, vector<16x200xf32> -> vector<16x200xf32>
    %mul3A_818 = arith.constant 1.250000e-01 : f32
    %mul3A_819 = vector.broadcast %mul3A_818 : f32 to vector<16x200xf32>
    %mul3A_820 = arith.mulf %dot_general3A_817, %mul3A_819 : vector<16x200xf32>
    %reduce_max3A_821 = arith.constant dense<0xFF800000> : vector<16xf32>
    %reduce_max3A_822 = vector.multi_reduction <maximumf>, %mul3A_820, %reduce_max3A_821 [1] : vector<16x200xf32> to vector<16xf32>
    %broadcast_in_dim3A_823 = vector.shape_cast %reduce_max3A_822 : vector<16xf32> to vector<16x1xf32>
    %sub3A_824 = vector.broadcast %broadcast_in_dim3A_823 : vector<16x1xf32> to vector<16x200xf32>
    %sub3A_825 = arith.subf %mul3A_820, %sub3A_824 : vector<16x200xf32>
    %exp3A_826 = math.exp %sub3A_825 : vector<16x200xf32>
    %reduce_sum3A_827 = arith.constant dense<0.000000e+00> : vector<16xf32>
    %reduce_sum3A_828 = vector.multi_reduction <add>, %exp3A_826, %reduce_sum3A_827 [1] : vector<16x200xf32> to vector<16xf32>
    %broadcast_in_dim3A_829 = vector.shape_cast %reduce_sum3A_828 : vector<16xf32> to vector<16x1xf32>
    %div3A_830 = vector.broadcast %broadcast_in_dim3A_829 : vector<16x1xf32> to vector<16x200xf32>
    %div3A_831 = arith.divf %exp3A_826, %div3A_830 : vector<16x200xf32>
    %dot_general3A_832 = arith.constant dense<0.000000e+00> : vector<16x64xf32>
    %dot_general3A_833 = tpu.matmul %div3A_831, %get3A_810, %dot_general3A_832 {dimension_numbers = #tpu.dot_dimension_numbers<[1], [0], [0], [1], [0, 0, 1, 1], [], []>, transpose_lhs_hint = false} : vector<16x200xf32>, vector<200x64xf32>, vector<16x64xf32> -> vector<16x64xf32>
    %swap3A_834 = arith.constant 0 : index
    %swap3A_835 = arith.constant 24 : index
    %swap3A_836 = arith.constant 0 : index
    %swap3A_837 = vector.load %arg2[%swap3A_834, %swap3A_835, %swap3A_836] : memref<16x32x64xf32, #tpu.memory_space<vmem>>, vector<16x1x64xf32>
    %swap3A_838 = vector.shape_cast %swap3A_837 : vector<16x1x64xf32> to vector<16x64xf32>
    %swap3A_839 = vector.shape_cast %dot_general3A_833 : vector<16x64xf32> to vector<16x1x64xf32>
    tpu.vector_store %arg2[%swap3A_834, %swap3A_835, %swap3A_836], %swap3A_839 {strides = array<i32>} : memref<16x32x64xf32, #tpu.memory_space<vmem>>, vector<16x1x64xf32>,
    %get3A_840 = arith.constant 25 : index
    %get3A_841 = arith.constant 0 : index
    %get3A_842 = arith.constant 0 : index
    %get3A_843 = vector.load %arg0[%get3A_840, %get3A_841, %get3A_842] : memref<32x200x64xf32, #tpu.memory_space<vmem>>, vector<1x200x64xf32>
    %get3A_844 = vector.shape_cast %get3A_843 : vector<1x200x64xf32> to vector<200x64xf32>
    %get3A_845 = arith.constant 25 : index
    %get3A_846 = arith.constant 0 : index
    %get3A_847 = arith.constant 0 : index
    %get3A_848 = vector.load %arg1[%get3A_845, %get3A_846, %get3A_847] : memref<32x16x64xf32, #tpu.memory_space<vmem>>, vector<1x16x64xf32>
    %get3A_849 = vector.shape_cast %get3A_848 : vector<1x16x64xf32> to vector<16x64xf32>
    %dot_general3A_850 = arith.constant dense<0.000000e+00> : vector<16x200xf32>
    %dot_general3A_851 = tpu.matmul %get3A_849, %get3A_844, %dot_general3A_850 {dimension_numbers = #tpu.dot_dimension_numbers<[1], [1], [0], [0], [0, 0, 1, 0], [], []>, transpose_lhs_hint = false} : vector<16x64xf32>, vector<200x64xf32>, vector<16x200xf32> -> vector<16x200xf32>
    %mul3A_852 = arith.constant 1.250000e-01 : f32
    %mul3A_853 = vector.broadcast %mul3A_852 : f32 to vector<16x200xf32>
    %mul3A_854 = arith.mulf %dot_general3A_851, %mul3A_853 : vector<16x200xf32>
    %reduce_max3A_855 = arith.constant dense<0xFF800000> : vector<16xf32>
    %reduce_max3A_856 = vector.multi_reduction <maximumf>, %mul3A_854, %reduce_max3A_855 [1] : vector<16x200xf32> to vector<16xf32>
    %broadcast_in_dim3A_857 = vector.shape_cast %reduce_max3A_856 : vector<16xf32> to vector<16x1xf32>
    %sub3A_858 = vector.broadcast %broadcast_in_dim3A_857 : vector<16x1xf32> to vector<16x200xf32>
    %sub3A_859 = arith.subf %mul3A_854, %sub3A_858 : vector<16x200xf32>
    %exp3A_860 = math.exp %sub3A_859 : vector<16x200xf32>
    %reduce_sum3A_861 = arith.constant dense<0.000000e+00> : vector<16xf32>
    %reduce_sum3A_862 = vector.multi_reduction <add>, %exp3A_860, %reduce_sum3A_861 [1] : vector<16x200xf32> to vector<16xf32>
    %broadcast_in_dim3A_863 = vector.shape_cast %reduce_sum3A_862 : vector<16xf32> to vector<16x1xf32>
    %div3A_864 = vector.broadcast %broadcast_in_dim3A_863 : vector<16x1xf32> to vector<16x200xf32>
    %div3A_865 = arith.divf %exp3A_860, %div3A_864 : vector<16x200xf32>
    %dot_general3A_866 = arith.constant dense<0.000000e+00> : vector<16x64xf32>
    %dot_general3A_867 = tpu.matmul %div3A_865, %get3A_844, %dot_general3A_866 {dimension_numbers = #tpu.dot_dimension_numbers<[1], [0], [0], [1], [0, 0, 1, 1], [], []>, transpose_lhs_hint = false} : vector<16x200xf32>, vector<200x64xf32>, vector<16x64xf32> -> vector<16x64xf32>
    %swap3A_868 = arith.constant 0 : index
    %swap3A_869 = arith.constant 25 : index
    %swap3A_870 = arith.constant 0 : index
    %swap3A_871 = vector.load %arg2[%swap3A_868, %swap3A_869, %swap3A_870] : memref<16x32x64xf32, #tpu.memory_space<vmem>>, vector<16x1x64xf32>
    %swap3A_872 = vector.shape_cast %swap3A_871 : vector<16x1x64xf32> to vector<16x64xf32>
    %swap3A_873 = vector.shape_cast %dot_general3A_867 : vector<16x64xf32> to vector<16x1x64xf32>
    tpu.vector_store %arg2[%swap3A_868, %swap3A_869, %swap3A_870], %swap3A_873 {strides = array<i32>} : memref<16x32x64xf32, #tpu.memory_space<vmem>>, vector<16x1x64xf32>,
    %get3A_874 = arith.constant 26 : index
    %get3A_875 = arith.constant 0 : index
    %get3A_876 = arith.constant 0 : index
    %get3A_877 = vector.load %arg0[%get3A_874, %get3A_875, %get3A_876] : memref<32x200x64xf32, #tpu.memory_space<vmem>>, vector<1x200x64xf32>
    %get3A_878 = vector.shape_cast %get3A_877 : vector<1x200x64xf32> to vector<200x64xf32>
    %get3A_879 = arith.constant 26 : index
    %get3A_880 = arith.constant 0 : index
    %get3A_881 = arith.constant 0 : index
    %get3A_882 = vector.load %arg1[%get3A_879, %get3A_880, %get3A_881] : memref<32x16x64xf32, #tpu.memory_space<vmem>>, vector<1x16x64xf32>
    %get3A_883 = vector.shape_cast %get3A_882 : vector<1x16x64xf32> to vector<16x64xf32>
    %dot_general3A_884 = arith.constant dense<0.000000e+00> : vector<16x200xf32>
    %dot_general3A_885 = tpu.matmul %get3A_883, %get3A_878, %dot_general3A_884 {dimension_numbers = #tpu.dot_dimension_numbers<[1], [1], [0], [0], [0, 0, 1, 0], [], []>, transpose_lhs_hint = false} : vector<16x64xf32>, vector<200x64xf32>, vector<16x200xf32> -> vector<16x200xf32>
    %mul3A_886 = arith.constant 1.250000e-01 : f32
    %mul3A_887 = vector.broadcast %mul3A_886 : f32 to vector<16x200xf32>
    %mul3A_888 = arith.mulf %dot_general3A_885, %mul3A_887 : vector<16x200xf32>
    %reduce_max3A_889 = arith.constant dense<0xFF800000> : vector<16xf32>
    %reduce_max3A_890 = vector.multi_reduction <maximumf>, %mul3A_888, %reduce_max3A_889 [1] : vector<16x200xf32> to vector<16xf32>
    %broadcast_in_dim3A_891 = vector.shape_cast %reduce_max3A_890 : vector<16xf32> to vector<16x1xf32>
    %sub3A_892 = vector.broadcast %broadcast_in_dim3A_891 : vector<16x1xf32> to vector<16x200xf32>
    %sub3A_893 = arith.subf %mul3A_888, %sub3A_892 : vector<16x200xf32>
    %exp3A_894 = math.exp %sub3A_893 : vector<16x200xf32>
    %reduce_sum3A_895 = arith.constant dense<0.000000e+00> : vector<16xf32>
    %reduce_sum3A_896 = vector.multi_reduction <add>, %exp3A_894, %reduce_sum3A_895 [1] : vector<16x200xf32> to vector<16xf32>
    %broadcast_in_dim3A_897 = vector.shape_cast %reduce_sum3A_896 : vector<16xf32> to vector<16x1xf32>
    %div3A_898 = vector.broadcast %broadcast_in_dim3A_897 : vector<16x1xf32> to vector<16x200xf32>
    %div3A_899 = arith.divf %exp3A_894, %div3A_898 : vector<16x200xf32>
    %dot_general3A_900 = arith.constant dense<0.000000e+00> : vector<16x64xf32>
    %dot_general3A_901 = tpu.matmul %div3A_899, %get3A_878, %dot_general3A_900 {dimension_numbers = #tpu.dot_dimension_numbers<[1], [0], [0], [1], [0, 0, 1, 1], [], []>, transpose_lhs_hint = false} : vector<16x200xf32>, vector<200x64xf32>, vector<16x64xf32> -> vector<16x64xf32>
    %swap3A_902 = arith.constant 0 : index
    %swap3A_903 = arith.constant 26 : index
    %swap3A_904 = arith.constant 0 : index
    %swap3A_905 = vector.load %arg2[%swap3A_902, %swap3A_903, %swap3A_904] : memref<16x32x64xf32, #tpu.memory_space<vmem>>, vector<16x1x64xf32>
    %swap3A_906 = vector.shape_cast %swap3A_905 : vector<16x1x64xf32> to vector<16x64xf32>
    %swap3A_907 = vector.shape_cast %dot_general3A_901 : vector<16x64xf32> to vector<16x1x64xf32>
    tpu.vector_store %arg2[%swap3A_902, %swap3A_903, %swap3A_904], %swap3A_907 {strides = array<i32>} : memref<16x32x64xf32, #tpu.memory_space<vmem>>, vector<16x1x64xf32>,
    %get3A_908 = arith.constant 27 : index
    %get3A_909 = arith.constant 0 : index
    %get3A_910 = arith.constant 0 : index
    %get3A_911 = vector.load %arg0[%get3A_908, %get3A_909, %get3A_910] : memref<32x200x64xf32, #tpu.memory_space<vmem>>, vector<1x200x64xf32>
    %get3A_912 = vector.shape_cast %get3A_911 : vector<1x200x64xf32> to vector<200x64xf32>
    %get3A_913 = arith.constant 27 : index
    %get3A_914 = arith.constant 0 : index
    %get3A_915 = arith.constant 0 : index
    %get3A_916 = vector.load %arg1[%get3A_913, %get3A_914, %get3A_915] : memref<32x16x64xf32, #tpu.memory_space<vmem>>, vector<1x16x64xf32>
    %get3A_917 = vector.shape_cast %get3A_916 : vector<1x16x64xf32> to vector<16x64xf32>
    %dot_general3A_918 = arith.constant dense<0.000000e+00> : vector<16x200xf32>
    %dot_general3A_919 = tpu.matmul %get3A_917, %get3A_912, %dot_general3A_918 {dimension_numbers = #tpu.dot_dimension_numbers<[1], [1], [0], [0], [0, 0, 1, 0], [], []>, transpose_lhs_hint = false} : vector<16x64xf32>, vector<200x64xf32>, vector<16x200xf32> -> vector<16x200xf32>
    %mul3A_920 = arith.constant 1.250000e-01 : f32
    %mul3A_921 = vector.broadcast %mul3A_920 : f32 to vector<16x200xf32>
    %mul3A_922 = arith.mulf %dot_general3A_919, %mul3A_921 : vector<16x200xf32>
    %reduce_max3A_923 = arith.constant dense<0xFF800000> : vector<16xf32>
    %reduce_max3A_924 = vector.multi_reduction <maximumf>, %mul3A_922, %reduce_max3A_923 [1] : vector<16x200xf32> to vector<16xf32>
    %broadcast_in_dim3A_925 = vector.shape_cast %reduce_max3A_924 : vector<16xf32> to vector<16x1xf32>
    %sub3A_926 = vector.broadcast %broadcast_in_dim3A_925 : vector<16x1xf32> to vector<16x200xf32>
    %sub3A_927 = arith.subf %mul3A_922, %sub3A_926 : vector<16x200xf32>
    %exp3A_928 = math.exp %sub3A_927 : vector<16x200xf32>
    %reduce_sum3A_929 = arith.constant dense<0.000000e+00> : vector<16xf32>
    %reduce_sum3A_930 = vector.multi_reduction <add>, %exp3A_928, %reduce_sum3A_929 [1] : vector<16x200xf32> to vector<16xf32>
    %broadcast_in_dim3A_931 = vector.shape_cast %reduce_sum3A_930 : vector<16xf32> to vector<16x1xf32>
    %div3A_932 = vector.broadcast %broadcast_in_dim3A_931 : vector<16x1xf32> to vector<16x200xf32>
    %div3A_933 = arith.divf %exp3A_928, %div3A_932 : vector<16x200xf32>
    %dot_general3A_934 = arith.constant dense<0.000000e+00> : vector<16x64xf32>
    %dot_general3A_935 = tpu.matmul %div3A_933, %get3A_912, %dot_general3A_934 {dimension_numbers = #tpu.dot_dimension_numbers<[1], [0], [0], [1], [0, 0, 1, 1], [], []>, transpose_lhs_hint = false} : vector<16x200xf32>, vector<200x64xf32>, vector<16x64xf32> -> vector<16x64xf32>
    %swap3A_936 = arith.constant 0 : index
    %swap3A_937 = arith.constant 27 : index
    %swap3A_938 = arith.constant 0 : index
    %swap3A_939 = vector.load %arg2[%swap3A_936, %swap3A_937, %swap3A_938] : memref<16x32x64xf32, #tpu.memory_space<vmem>>, vector<16x1x64xf32>
    %swap3A_940 = vector.shape_cast %swap3A_939 : vector<16x1x64xf32> to vector<16x64xf32>
    %swap3A_941 = vector.shape_cast %dot_general3A_935 : vector<16x64xf32> to vector<16x1x64xf32>
    tpu.vector_store %arg2[%swap3A_936, %swap3A_937, %swap3A_938], %swap3A_941 {strides = array<i32>} : memref<16x32x64xf32, #tpu.memory_space<vmem>>, vector<16x1x64xf32>,
    %get3A_942 = arith.constant 28 : index
    %get3A_943 = arith.constant 0 : index
    %get3A_944 = arith.constant 0 : index
    %get3A_945 = vector.load %arg0[%get3A_942, %get3A_943, %get3A_944] : memref<32x200x64xf32, #tpu.memory_space<vmem>>, vector<1x200x64xf32>
    %get3A_946 = vector.shape_cast %get3A_945 : vector<1x200x64xf32> to vector<200x64xf32>
    %get3A_947 = arith.constant 28 : index
    %get3A_948 = arith.constant 0 : index
    %get3A_949 = arith.constant 0 : index
    %get3A_950 = vector.load %arg1[%get3A_947, %get3A_948, %get3A_949] : memref<32x16x64xf32, #tpu.memory_space<vmem>>, vector<1x16x64xf32>
    %get3A_951 = vector.shape_cast %get3A_950 : vector<1x16x64xf32> to vector<16x64xf32>
    %dot_general3A_952 = arith.constant dense<0.000000e+00> : vector<16x200xf32>
    %dot_general3A_953 = tpu.matmul %get3A_951, %get3A_946, %dot_general3A_952 {dimension_numbers = #tpu.dot_dimension_numbers<[1], [1], [0], [0], [0, 0, 1, 0], [], []>, transpose_lhs_hint = false} : vector<16x64xf32>, vector<200x64xf32>, vector<16x200xf32> -> vector<16x200xf32>
    %mul3A_954 = arith.constant 1.250000e-01 : f32
    %mul3A_955 = vector.broadcast %mul3A_954 : f32 to vector<16x200xf32>
    %mul3A_956 = arith.mulf %dot_general3A_953, %mul3A_955 : vector<16x200xf32>
    %reduce_max3A_957 = arith.constant dense<0xFF800000> : vector<16xf32>
    %reduce_max3A_958 = vector.multi_reduction <maximumf>, %mul3A_956, %reduce_max3A_957 [1] : vector<16x200xf32> to vector<16xf32>
    %broadcast_in_dim3A_959 = vector.shape_cast %reduce_max3A_958 : vector<16xf32> to vector<16x1xf32>
    %sub3A_960 = vector.broadcast %broadcast_in_dim3A_959 : vector<16x1xf32> to vector<16x200xf32>
    %sub3A_961 = arith.subf %mul3A_956, %sub3A_960 : vector<16x200xf32>
    %exp3A_962 = math.exp %sub3A_961 : vector<16x200xf32>
    %reduce_sum3A_963 = arith.constant dense<0.000000e+00> : vector<16xf32>
    %reduce_sum3A_964 = vector.multi_reduction <add>, %exp3A_962, %reduce_sum3A_963 [1] : vector<16x200xf32> to vector<16xf32>
    %broadcast_in_dim3A_965 = vector.shape_cast %reduce_sum3A_964 : vector<16xf32> to vector<16x1xf32>
    %div3A_966 = vector.broadcast %broadcast_in_dim3A_965 : vector<16x1xf32> to vector<16x200xf32>
    %div3A_967 = arith.divf %exp3A_962, %div3A_966 : vector<16x200xf32>
    %dot_general3A_968 = arith.constant dense<0.000000e+00> : vector<16x64xf32>
    %dot_general3A_969 = tpu.matmul %div3A_967, %get3A_946, %dot_general3A_968 {dimension_numbers = #tpu.dot_dimension_numbers<[1], [0], [0], [1], [0, 0, 1, 1], [], []>, transpose_lhs_hint = false} : vector<16x200xf32>, vector<200x64xf32>, vector<16x64xf32> -> vector<16x64xf32>
    %swap3A_970 = arith.constant 0 : index
    %swap3A_971 = arith.constant 28 : index
    %swap3A_972 = arith.constant 0 : index
    %swap3A_973 = vector.load %arg2[%swap3A_970, %swap3A_971, %swap3A_972] : memref<16x32x64xf32, #tpu.memory_space<vmem>>, vector<16x1x64xf32>
    %swap3A_974 = vector.shape_cast %swap3A_973 : vector<16x1x64xf32> to vector<16x64xf32>
    %swap3A_975 = vector.shape_cast %dot_general3A_969 : vector<16x64xf32> to vector<16x1x64xf32>
    tpu.vector_store %arg2[%swap3A_970, %swap3A_971, %swap3A_972], %swap3A_975 {strides = array<i32>} : memref<16x32x64xf32, #tpu.memory_space<vmem>>, vector<16x1x64xf32>,
    %get3A_976 = arith.constant 29 : index
    %get3A_977 = arith.constant 0 : index
    %get3A_978 = arith.constant 0 : index
    %get3A_979 = vector.load %arg0[%get3A_976, %get3A_977, %get3A_978] : memref<32x200x64xf32, #tpu.memory_space<vmem>>, vector<1x200x64xf32>
    %get3A_980 = vector.shape_cast %get3A_979 : vector<1x200x64xf32> to vector<200x64xf32>
    %get3A_981 = arith.constant 29 : index
    %get3A_982 = arith.constant 0 : index
    %get3A_983 = arith.constant 0 : index
    %get3A_984 = vector.load %arg1[%get3A_981, %get3A_982, %get3A_983] : memref<32x16x64xf32, #tpu.memory_space<vmem>>, vector<1x16x64xf32>
    %get3A_985 = vector.shape_cast %get3A_984 : vector<1x16x64xf32> to vector<16x64xf32>
    %dot_general3A_986 = arith.constant dense<0.000000e+00> : vector<16x200xf32>
    %dot_general3A_987 = tpu.matmul %get3A_985, %get3A_980, %dot_general3A_986 {dimension_numbers = #tpu.dot_dimension_numbers<[1], [1], [0], [0], [0, 0, 1, 0], [], []>, transpose_lhs_hint = false} : vector<16x64xf32>, vector<200x64xf32>, vector<16x200xf32> -> vector<16x200xf32>
    %mul3A_988 = arith.constant 1.250000e-01 : f32
    %mul3A_989 = vector.broadcast %mul3A_988 : f32 to vector<16x200xf32>
    %mul3A_990 = arith.mulf %dot_general3A_987, %mul3A_989 : vector<16x200xf32>
    %reduce_max3A_991 = arith.constant dense<0xFF800000> : vector<16xf32>
    %reduce_max3A_992 = vector.multi_reduction <maximumf>, %mul3A_990, %reduce_max3A_991 [1] : vector<16x200xf32> to vector<16xf32>
    %broadcast_in_dim3A_993 = vector.shape_cast %reduce_max3A_992 : vector<16xf32> to vector<16x1xf32>
    %sub3A_994 = vector.broadcast %broadcast_in_dim3A_993 : vector<16x1xf32> to vector<16x200xf32>
    %sub3A_995 = arith.subf %mul3A_990, %sub3A_994 : vector<16x200xf32>
    %exp3A_996 = math.exp %sub3A_995 : vector<16x200xf32>
    %reduce_sum3A_997 = arith.constant dense<0.000000e+00> : vector<16xf32>
    %reduce_sum3A_998 = vector.multi_reduction <add>, %exp3A_996, %reduce_sum3A_997 [1] : vector<16x200xf32> to vector<16xf32>
    %broadcast_in_dim3A_999 = vector.shape_cast %reduce_sum3A_998 : vector<16xf32> to vector<16x1xf32>
    %div3A_1000 = vector.broadcast %broadcast_in_dim3A_999 : vector<16x1xf32> to vector<16x200xf32>
    %div3A_1001 = arith.divf %exp3A_996, %div3A_1000 : vector<16x200xf32>
    %dot_general3A_1002 = arith.constant dense<0.000000e+00> : vector<16x64xf32>
    %dot_general3A_1003 = tpu.matmul %div3A_1001, %get3A_980, %dot_general3A_1002 {dimension_numbers = #tpu.dot_dimension_numbers<[1], [0], [0], [1], [0, 0, 1, 1], [], []>, transpose_lhs_hint = false} : vector<16x200xf32>, vector<200x64xf32>, vector<16x64xf32> -> vector<16x64xf32>
    %swap3A_1004 = arith.constant 0 : index
    %swap3A_1005 = arith.constant 29 : index
    %swap3A_1006 = arith.constant 0 : index
    %swap3A_1007 = vector.load %arg2[%swap3A_1004, %swap3A_1005, %swap3A_1006] : memref<16x32x64xf32, #tpu.memory_space<vmem>>, vector<16x1x64xf32>
    %swap3A_1008 = vector.shape_cast %swap3A_1007 : vector<16x1x64xf32> to vector<16x64xf32>
    %swap3A_1009 = vector.shape_cast %dot_general3A_1003 : vector<16x64xf32> to vector<16x1x64xf32>
    tpu.vector_store %arg2[%swap3A_1004, %swap3A_1005, %swap3A_1006], %swap3A_1009 {strides = array<i32>} : memref<16x32x64xf32, #tpu.memory_space<vmem>>, vector<16x1x64xf32>,
    %get3A_1010 = arith.constant 30 : index
    %get3A_1011 = arith.constant 0 : index
    %get3A_1012 = arith.constant 0 : index
    %get3A_1013 = vector.load %arg0[%get3A_1010, %get3A_1011, %get3A_1012] : memref<32x200x64xf32, #tpu.memory_space<vmem>>, vector<1x200x64xf32>
    %get3A_1014 = vector.shape_cast %get3A_1013 : vector<1x200x64xf32> to vector<200x64xf32>
    %get3A_1015 = arith.constant 30 : index
    %get3A_1016 = arith.constant 0 : index
    %get3A_1017 = arith.constant 0 : index
    %get3A_1018 = vector.load %arg1[%get3A_1015, %get3A_1016, %get3A_1017] : memref<32x16x64xf32, #tpu.memory_space<vmem>>, vector<1x16x64xf32>
    %get3A_1019 = vector.shape_cast %get3A_1018 : vector<1x16x64xf32> to vector<16x64xf32>
    %dot_general3A_1020 = arith.constant dense<0.000000e+00> : vector<16x200xf32>
    %dot_general3A_1021 = tpu.matmul %get3A_1019, %get3A_1014, %dot_general3A_1020 {dimension_numbers = #tpu.dot_dimension_numbers<[1], [1], [0], [0], [0, 0, 1, 0], [], []>, transpose_lhs_hint = false} : vector<16x64xf32>, vector<200x64xf32>, vector<16x200xf32> -> vector<16x200xf32>
    %mul3A_1022 = arith.constant 1.250000e-01 : f32
    %mul3A_1023 = vector.broadcast %mul3A_1022 : f32 to vector<16x200xf32>
    %mul3A_1024 = arith.mulf %dot_general3A_1021, %mul3A_1023 : vector<16x200xf32>
    %reduce_max3A_1025 = arith.constant dense<0xFF800000> : vector<16xf32>
    %reduce_max3A_1026 = vector.multi_reduction <maximumf>, %mul3A_1024, %reduce_max3A_1025 [1] : vector<16x200xf32> to vector<16xf32>
    %broadcast_in_dim3A_1027 = vector.shape_cast %reduce_max3A_1026 : vector<16xf32> to vector<16x1xf32>
    %sub3A_1028 = vector.broadcast %broadcast_in_dim3A_1027 : vector<16x1xf32> to vector<16x200xf32>
    %sub3A_1029 = arith.subf %mul3A_1024, %sub3A_1028 : vector<16x200xf32>
    %exp3A_1030 = math.exp %sub3A_1029 : vector<16x200xf32>
    %reduce_sum3A_1031 = arith.constant dense<0.000000e+00> : vector<16xf32>
    %reduce_sum3A_1032 = vector.multi_reduction <add>, %exp3A_1030, %reduce_sum3A_1031 [1] : vector<16x200xf32> to vector<16xf32>
    %broadcast_in_dim3A_1033 = vector.shape_cast %reduce_sum3A_1032 : vector<16xf32> to vector<16x1xf32>
    %div3A_1034 = vector.broadcast %broadcast_in_dim3A_1033 : vector<16x1xf32> to vector<16x200xf32>
    %div3A_1035 = arith.divf %exp3A_1030, %div3A_1034 : vector<16x200xf32>
    %dot_general3A_1036 = arith.constant dense<0.000000e+00> : vector<16x64xf32>
    %dot_general3A_1037 = tpu.matmul %div3A_1035, %get3A_1014, %dot_general3A_1036 {dimension_numbers = #tpu.dot_dimension_numbers<[1], [0], [0], [1], [0, 0, 1, 1], [], []>, transpose_lhs_hint = false} : vector<16x200xf32>, vector<200x64xf32>, vector<16x64xf32> -> vector<16x64xf32>
    %swap3A_1038 = arith.constant 0 : index
    %swap3A_1039 = arith.constant 30 : index
    %swap3A_1040 = arith.constant 0 : index
    %swap3A_1041 = vector.load %arg2[%swap3A_1038, %swap3A_1039, %swap3A_1040] : memref<16x32x64xf32, #tpu.memory_space<vmem>>, vector<16x1x64xf32>
    %swap3A_1042 = vector.shape_cast %swap3A_1041 : vector<16x1x64xf32> to vector<16x64xf32>
    %swap3A_1043 = vector.shape_cast %dot_general3A_1037 : vector<16x64xf32> to vector<16x1x64xf32>
    tpu.vector_store %arg2[%swap3A_1038, %swap3A_1039, %swap3A_1040], %swap3A_1043 {strides = array<i32>} : memref<16x32x64xf32, #tpu.memory_space<vmem>>, vector<16x1x64xf32>,
    %get3A_1044 = arith.constant 31 : index
    %get3A_1045 = arith.constant 0 : index
    %get3A_1046 = arith.constant 0 : index
    %get3A_1047 = vector.load %arg0[%get3A_1044, %get3A_1045, %get3A_1046] : memref<32x200x64xf32, #tpu.memory_space<vmem>>, vector<1x200x64xf32>
    %get3A_1048 = vector.shape_cast %get3A_1047 : vector<1x200x64xf32> to vector<200x64xf32>
    %get3A_1049 = arith.constant 31 : index
    %get3A_1050 = arith.constant 0 : index
    %get3A_1051 = arith.constant 0 : index
    %get3A_1052 = vector.load %arg1[%get3A_1049, %get3A_1050, %get3A_1051] : memref<32x16x64xf32, #tpu.memory_space<vmem>>, vector<1x16x64xf32>
    %get3A_1053 = vector.shape_cast %get3A_1052 : vector<1x16x64xf32> to vector<16x64xf32>
    %dot_general3A_1054 = arith.constant dense<0.000000e+00> : vector<16x200xf32>
    %dot_general3A_1055 = tpu.matmul %get3A_1053, %get3A_1048, %dot_general3A_1054 {dimension_numbers = #tpu.dot_dimension_numbers<[1], [1], [0], [0], [0, 0, 1, 0], [], []>, transpose_lhs_hint = false} : vector<16x64xf32>, vector<200x64xf32>, vector<16x200xf32> -> vector<16x200xf32>
    %mul3A_1056 = arith.constant 1.250000e-01 : f32
    %mul3A_1057 = vector.broadcast %mul3A_1056 : f32 to vector<16x200xf32>
    %mul3A_1058 = arith.mulf %dot_general3A_1055, %mul3A_1057 : vector<16x200xf32>
    %reduce_max3A_1059 = arith.constant dense<0xFF800000> : vector<16xf32>
    %reduce_max3A_1060 = vector.multi_reduction <maximumf>, %mul3A_1058, %reduce_max3A_1059 [1] : vector<16x200xf32> to vector<16xf32>
    %broadcast_in_dim3A_1061 = vector.shape_cast %reduce_max3A_1060 : vector<16xf32> to vector<16x1xf32>
    %sub3A_1062 = vector.broadcast %broadcast_in_dim3A_1061 : vector<16x1xf32> to vector<16x200xf32>
    %sub3A_1063 = arith.subf %mul3A_1058, %sub3A_1062 : vector<16x200xf32>
    %exp3A_1064 = math.exp %sub3A_1063 : vector<16x200xf32>
    %reduce_sum3A_1065 = arith.constant dense<0.000000e+00> : vector<16xf32>
    %reduce_sum3A_1066 = vector.multi_reduction <add>, %exp3A_1064, %reduce_sum3A_1065 [1] : vector<16x200xf32> to vector<16xf32>
    %broadcast_in_dim3A_1067 = vector.shape_cast %reduce_sum3A_1066 : vector<16xf32> to vector<16x1xf32>
    %div3A_1068 = vector.broadcast %broadcast_in_dim3A_1067 : vector<16x1xf32> to vector<16x200xf32>
    %div3A_1069 = arith.divf %exp3A_1064, %div3A_1068 : vector<16x200xf32>
    %dot_general3A_1070 = arith.constant dense<0.000000e+00> : vector<16x64xf32>
    %dot_general3A_1071 = tpu.matmul %div3A_1069, %get3A_1048, %dot_general3A_1070 {dimension_numbers = #tpu.dot_dimension_numbers<[1], [0], [0], [1], [0, 0, 1, 1], [], []>, transpose_lhs_hint = false} : vector<16x200xf32>, vector<200x64xf32>, vector<16x64xf32> -> vector<16x64xf32>
    %swap3A_1072 = arith.constant 0 : index
    %swap3A_1073 = arith.constant 31 : index
    %swap3A_1074 = arith.constant 0 : index
    %swap3A_1075 = vector.load %arg2[%swap3A_1072, %swap3A_1073, %swap3A_1074] : memref<16x32x64xf32, #tpu.memory_space<vmem>>, vector<16x1x64xf32>
    %swap3A_1076 = vector.shape_cast %swap3A_1075 : vector<16x1x64xf32> to vector<16x64xf32>
    %swap3A_1077 = vector.shape_cast %dot_general3A_1071 : vector<16x64xf32> to vector<16x1x64xf32>
    tpu.vector_store %arg2[%swap3A_1072, %swap3A_1073, %swap3A_1074], %swap3A_1077 {strides = array<i32>} : memref<16x32x64xf32, #tpu.memory_space<vmem>>, vector<16x1x64xf32>,
    return
  }
}

</mosaic_0001>

<sc_bundles>
// kernel: kernel.4.cloned.1.call-start
scs
__scs_entry_jumppad:
0x0: {  	(pc) =	sbr.rel $0x88, $3  }
0x1: {  	(tag) =	ssettag $0x0;
	lr =	simm.s32 $0x1  }
0x2: {  	[smem:$0x3F9D] =	sst lr;
	_ =	strace $0xD0000000  }
0x3: {  	_ = 	snop  }
0x4: {  	_ = 	snop  }
0x5: {  	_ = 	snop  }
0x6: {  	_ = 	snop  }
0x7: {  	_ = 	snop  }
__scs_overlays_trampoline_lowered:
0x8: {  	[smem:$0x3FAC] =	sst s0  }
0x9: {  	[smem:$0x3FAD] =	sst s1  }
0xa: {  	[smem:$0x3FAE] =	sst s2  }
0xb: {  	[smem:$0x3FAF] =	sst s3  }
0xc: {  	[smem:$0x3FB0] =	sst s4  }
0xd: {  	[smem:$0x3FB1] =	sst s5  }
0xe: {  	[smem:$0x3FB2] =	sst s6  }
0xf: {  	[smem:$0x3FB3] =	sst s7  }
0x10: {  	[smem:$0x3FB4] =	sst s8  }
0x11: {  	[smem:$0x3FB5] =	sst s9;
	s0 =	simm.s32 @!p0 $0x0  }
0x12: {  	s1 =	sld [smem:$0x3F9B];
	s0 =	simm.s32 @p0 $0x1  }
0x13: {  	[smem:$0x3FB6] =	sst s0;
	s0 =	simm.s32 @!p1 $0x0  }
0x14: {  	s2 =	sld [smem:$0x3F9A];
	s0 =	simm.s32 @p1 $0x1  }
0x15: {  	[smem:$0x3FB7] =	sst s0;
	s0 =	simm.s32 @!p2 $0x0  }
0x16: {  	s3 =	sld [smem:$0x3FDB];
	s0 =	simm.s32 @p2 $0x1  }
0x17: {  	s4 =	simm.s32 $0x1BF5;
	[smem:$0x3FB9] =	sst s0  }
0x18: {  	s0 =	sld [smem:$0x3F9C];
	_ =	swait.ge [sflag:s4], $0x0  }
0x19: {  	s7 =	sld [smem:$0x3F9D]  }
0x1a: {  	s8 =	sadd.s32 $0xFFFFE003, lr  }
0x1b: {  	s9 =	sadd.s32 $0xFFFFFEF7, lr;
	s5 =	simm.s32 $0xFFFFFFFF;
	p2 =	slt.u32 s8, $0xFFFFF086  }
0x1c: {  	p1 =	slt.u32 s9, $0xF7A;
	s5 =	simm.s32 @!p2 $0x0  }
0x1d: {  	s5 =	simm.s32 @p1 $0x1;
	p0 =	seq.s32 s7, s2  }
0x1e: {  	s7 =	smul.u32 @!p0 $0xF7A, s2;
	p2 =	seq.s32 @!p0 s5, $0x0  }
0x1f: {  	s9 =	smul.u32 $0xF7A, s1;
	s8 =	simm.s32 @!p0 $0x1BF5;
	p2 =	por !p2, p0  }
0x20: {  	[sflag:s8] =	ssyncset.s32 @!p0 $0xFFFFF086;
	s6 =	sadd.s32 @!p0 s3, s7;
	s7 =	simm.s32 @!p0 $0x108  }
0x21: {  	s3 =	sadd.s32 s3, s9;
	s6 =	sadd.s32 @!p0 $0x88, s6;
	s7 =	simm.s32 @p2 $0x1082  }
0x22: {  	[simem:s7], [sflag:s8] =	dma.local @!p0 [hbm:s6], $0xF7A  }
0x23: {  	s9 =	sor.u32 $0xD0000000, s2;
	s6 =	simm.s32 $0x108;
	_ =	swait.ge @!p0 [sflag:s8], $0x0  }
0x24: {  	s3 =	sadd.s32 $0x88, s3;
	s6 =	simm.s32 @!p1 $0x1082;
	[sflag:s4] =	ssyncset.s32 $0xFFFFF086  }
0x25: {  	[simem:s6], [sflag:s4] =	dma.local [hbm:s3], $0xF7A  }
0x26: {  	[smem:$0x3F9D] =	sst s1;
	(tag) =	ssettag s2;
	_ =	strace s9  }
0x27: {  	s1 =	sld [smem:$0x3FAD]  }
0x28: {  	s2 =	sld [smem:$0x3FAE]  }
0x29: {  	s4 =	sld [smem:$0x3FB0]  }
0x2a: {  	p0 =	seq.s32 s5, $0x0;
	s5 =	sld [smem:$0x3FB1]  }
0x2b: {  	s6 =	sld [smem:$0x3FB2]  }
0x2c: {  	s7 =	sld [smem:$0x3FB3]  }
0x2d: {  	s3 =	simm.s32 $0x108;
	s8 =	sld [smem:$0x3FB4]  }
0x2e: {  	s3 =	simm.s32 @!p0 $0x1082;
	s9 =	sld [smem:$0x3FB5]  }
0x2f: {  	lr =	sadd.s32 s0, s3;
	s0 =	sld [smem:$0x3FAC]  }
0x30: {  	s3 =	sld [smem:$0x3FAF]  }
0x31: {  	[smem:$0x3FB8] =	sst s10  }
0x32: {  	s10 =	sld [smem:$0x3FB6];
	_ =	sdelay $0x3  }
0x33: {  	p0 =	seq.s32 s10, $0x1;
	s10 =	sld [smem:$0x3FB8];
	_ =	sdelay $0x3  }
0x34: {  	[smem:$0x3FB8] =	sst s10  }
0x35: {  	s10 =	sld [smem:$0x3FB7];
	_ =	sdelay $0x3  }
0x36: {  	p1 =	seq.s32 s10, $0x1;
	s10 =	sld [smem:$0x3FB8];
	_ =	sdelay $0x3  }
0x37: {  	[smem:$0x3FB8] =	sst s10  }
0x38: {  	s10 =	sld [smem:$0x3FB9]  }
0x39: {  	_ = 	snop;
	(pc) =	sbr.ind lr, $3  }
0x3a: {  	_ = 	snop  }
0x3b: {  	_ = 	snop  }
0x3c: {  	p2 =	seq.s32 s10, $0x1;
	s10 =	sld [smem:$0x3FB8]  }
0x3d: {  	_ =	shalt  }
0x3e: {  	_ =	shalt  }
0x3f: {  	_ =	shalt  }
0x40: {  	_ =	shalt  }
0x41: {  	_ =	shalt  }
0x42: {  	_ =	shalt  }
0x43: {  	_ =	shalt  }
0x44: {  	_ =	shalt  }
0x45: {  	_ =	shalt  }
0x46: {  	_ =	shalt  }
0x47: {  	_ =	shalt  }
0x48: {  	_ =	shalt  }
0x49: {  	_ =	shalt  }
0x4a: {  	_ =	shalt  }
0x4b: {  	_ =	shalt  }
0x4c: {  	_ =	shalt  }
0x4d: {  	_ =	shalt  }
0x4e: {  	_ =	shalt  }
0x4f: {  	_ =	shalt  }
0x50: {  	_ =	shalt  }
0x51: {  	_ =	shalt  }
0x52: {  	_ =	shalt  }
0x53: {  	_ =	shalt  }
0x54: {  	_ =	shalt  }
0x55: {  	_ =	shalt  }
0x56: {  	_ =	shalt  }
0x57: {  	_ =	shalt  }
0x58: {  	_ =	shalt  }
0x59: {  	_ =	shalt  }
0x5a: {  	_ =	shalt  }
0x5b: {  	_ =	shalt  }
0x5c: {  	_ =	shalt  }
0x5d: {  	_ =	shalt  }
0x5e: {  	_ =	shalt  }
0x5f: {  	_ =	shalt  }
0x60: {  	_ =	shalt  }
0x61: {  	_ =	shalt  }
0x62: {  	_ =	shalt  }
0x63: {  	_ =	shalt  }
0x64: {  	_ =	shalt  }
0x65: {  	_ =	shalt  }
0x66: {  	_ =	shalt  }
0x67: {  	_ =	shalt  }
0x68: {  	_ =	shalt  }
0x69: {  	_ =	shalt  }
0x6a: {  	_ =	shalt  }
0x6b: {  	_ =	shalt  }
0x6c: {  	_ =	shalt  }
0x6d: {  	_ =	shalt  }
0x6e: {  	_ =	shalt  }
0x6f: {  	_ =	shalt  }
0x70: {  	_ =	shalt  }
0x71: {  	_ =	shalt  }
0x72: {  	_ =	shalt  }
0x73: {  	_ =	shalt  }
0x74: {  	_ =	shalt  }
0x75: {  	_ =	shalt  }
0x76: {  	_ =	shalt  }
0x77: {  	_ =	shalt  }
0x78: {  	_ =	shalt  }
0x79: {  	_ =	shalt  }
0x7a: {  	_ =	shalt  }
0x7b: {  	_ =	shalt  }
0x7c: {  	_ =	shalt  }
0x7d: {  	_ =	shalt  }
0x7e: {  	_ =	shalt  }
0x7f: {  	_ =	shalt  }
0x80: {  	_ =	shalt  }
0x81: {  	_ =	shalt  }
0x82: {  	_ =	shalt  }
0x83: {  	_ =	shalt  }
0x84: {  	_ =	shalt  }
0x85: {  	_ =	shalt  }
0x86: {  	_ =	shalt  }
0x87: {  	_ =	shalt  }
.Lfunc_end0:
.L_simem_size_0:
called_computation_lowered:
.L_overlay_start_0:
0x88: {  	s2 =	sld [smem:$0x3FD9]  }
0x89: {  	s3 =	sld [smem:$0x3FFE];
	_ =	sdelay $0x1  }
0x8a: {  	s1 =	srdreg.scid  }
0x8b: {  	s0 =	sand.u32 $0x1, s1  }
0x8c: {  	s17 =	sshll.u32 s0, $0xA;
	s2 =	sadd.s32 s3, s2  }
0x8d: {  	s2 =	sadd.s32 s2, s17  }
0x8e: {  	[smem:$0x3FC4] =	sst s2  }
0x8f: {  	_ = 	snop  }
0x90: {  	s2 =	sld [smem:$0x3FD0];
	(tm) =	ssettm $0x1  }
0x91: {  	s18 =	sld [smem:$0x3FFB];
	_ =	sdelay $0x3  }
0x92: {  	_ =	strace s18  }
0x93: {  	s3 =	sld [smem:$0x3FFC];
	_ =	sdelay $0x3  }
0x94: {  	_ =	strace s3  }
0x95: {  	s3 =	sld [smem:$0x3FFD];
	_ =	sdelay $0x3  }
0x96: {  	_ =	strace s3  }
0x97: {  	_ =	strace $0x8FFFFFFF  }
0x98: {  	s19 =	sld [smem:$0x3FDB];
	_ =	sdelay $0x1  }
0x99: {  	s4 =	simm.s32 $_scs_section_size  }
0x9a: {  	s5 =	simm.s32 $_size__tile_overlayer_lowered;
	s6 =	simm.s32 $_tile_overlayer_lowered  }
0x9b: {  	s22 =	simm.s32 $0x1BFF;
	s21 =	sshll.u32 s6, $0x1;
	s3 =	sadd.s32 s4, s19  }
0x9c: {  	s7 =	simm.s32 $0x0;
	s20 =	sshll.u32 s5, $0x1;
	s5 =	sadd.s32 s21, s3  }
0x9d: {  	[timem:s7], [sflag:s22] =	dma.local [hbm:s5], s20  }
0x9e: {  	_ =	swait.ge [sflag:s22], s20  }
0x9f: {  	s4 =	ssub.s32 $0x0, s20;
	[sflag:s22] =	ssyncset.done $0x0  }
0xa0: {  	[sflag:s22] =	ssyncadd.s32 s4;
	_ =	sdelay $0x1  }
0xa1: {  	s23 =	simm.s32 $0x1B8B  }
0xa2: {  	_ =	swait.ge [sflag:s23], $0x1  }
0xa3: {  	[sflag:s23] =	ssyncset.done $0x0  }
0xa4: {  	s25 =	simm.s32 $0x1B8E;
	s24 =	sld [smem:$0x3FFE];
	[sflag:s23] =	ssyncadd.s32 $0xFFFFFFFF  }
0xa5: {  	s26 =	simm.s32 $execute0_lowered;
	[smem:$0x3FD2] =	sst s25  }
0xa6: {  	s5 =	sshll.u32 s26, $0x1;
	_ =	strace $0x80000046;
	[dreg:$0x1] =	wrdreg $0xFFFFFFFF  }
0xa7: {  	s28 =	simm.s32 $_size_execute0_lowered;
	s3 =	sadd.s32 s3, s5;
	[dreg:$0x0] =	wrdreg $0x0  }
0xa8: {  	s5 =	sshll.u32 s28, $0x1;
	[dreg:$0x2] =	wrdreg s3  }
0xa9: {  	[dreg:$0x3] =	wrdreg s5  }
0xaa: {  	[dreg:$0x4] =	wrdreg $0xC0  }
0xab: {  	_ =	task [dreg:s7], $0x5FFFF  }
0xac: {  	[dreg:$0x1] =	wrdreg $0xFFFFFFFF  }
0xad: {  	[dreg:$0x0] =	wrdreg $0x60  }
0xae: {  	[dreg:$0x2] =	wrdreg s24  }
0xaf: {  	[dreg:$0x3] =	wrdreg s2  }
0xb0: {  	[dreg:$0x4] =	wrdreg $0x9  }
0xb1: {  	_ =	task.clear_ibuf [dreg:s7], $0x5FFFF;
	_ =	strace $0x90000046  }
0xb2: {  	s29 =	simm.s32 $0x9;
	_ =	strace $0x80000048  }
0xb3: {  	_ =	swait.ge [sflag:s29], $0x1  }
0xb4: {  	[sflag:s29] =	ssyncadd.s32 $0xFFFFFFFF  }
0xb5: {  	_ =	strace $0x90000048  }
0xb6: {  	_ =	sfence  }
0xb7: {  	s30 =	sld [smem:$0x0];
	_ =	sdelay $0x2  }
0xb8: {  	s31 =	sshll.u32 s1, $0xD;
	s1 =	sshrl.u32 s1, $0x2  }
0xb9: {  	s3 =	sand.u32 $0x4000, s31;
	s1 =	sadd.s32 s1, s30  }
0xba: {  	s0 =	sor.u32 s3, s0;
	s1 =	sshll.u32 s1, $0x11  }
0xbb: {  	s0 =	sor.u32 s1, s0  }
0xbc: {  	s0 =	sadd.s32 $0x8F2B, s0  }
0xbd: {  	[sflag:s0] =	ssyncadd.remote.s32 $0x1  }
0xbe: {  	_ =	sfence.sel $0xFFFF  }
0xbf: {  	[dreg:$0x0] =	wrdreg $0xFFFFFFFF;
	(pc) =	sbr.abs _section_cstart, $3  }
0xc0: {  	[dreg:$0x1] =	wrdreg $0xFFFFFFFF  }
0xc1: {  	_ =	task.clear_ibuf [dreg:s7], $0x2FFFF;
	_ =	strace $0x9FFFFFFF  }
0xc2: {  	(tm) =	ssettm $0x7FFFFFFF  }
0xc3: {  	_ =	shalt  }
tec
execute0_lowered:
.L_overlay_start_1:
0x0: {  	(tag) =	ssettag $0x1  }
0x1: {  	s1 =	srdreg.scid;
	s0 =	stileid.u32  }
0x2: {  	s16 =	sand.u32 $0x1, s1;
	s26 =	sshll.u32 s0, $0x1  }
0x3: {  	s17 =	rddreg [dreg:$0x0];
	s18 =	sor.u32 s16, s26  }
0x4: {  	s19 =	rddreg [dreg:$0x1];
	s3 =	smul.u32 $0x19, s18  }
0x5: {  	s2 =	simm.s32 $0x0;
	s1 =	rddreg [dreg:$0x2]  }
0x6: {  	[smem:$0x7FF] =	sst s2;
	s3 =	sadd.s32 s3, s17  }
0x7: {  	_ =	strace $0x80000047;
	s4 =	sadd.s32 $0x2800, s3;
	s3 =	simm.s32 $0x2  }
0x8: {  	[tilespmem:s2], [sflag:$0x2] =	stream.linear.gather [hbm4b:s4+s2], $0xC8, $0x38;
	[tilespmem:$0x36D8] =	vst v63  }
0x9: {  	s5 =	sshll.u32 s18, $0x1;
	_ =	swait.ge [sflag:s3], $0xC8  }
0xa: {  	s5 =	sadd.s32 s5, s17;
	[sflag:s3] =	ssyncset.done $0x0  }
0xb: {  	s6 =	simm.s32 $0x32C8;
	s5 =	sadd.s32 $0x2C00, s5;
	[sflag:s3] =	ssyncadd.s32 $0xFFFFFF38  }
0xc: {  	[tilespmem:s6], [sflag:$0x2] =	stream.linear.gather [hbm4b:s5+s2], $0x10, $0x38;
	[tilespmem:$0x36D8] =	vst v63  }
0xd: {  	_ =	swait.ge [sflag:s3], $0x10  }
0xe: {  	s8 =	simm.s32 $0x68;
	[sflag:s3] =	ssyncset.done $0x0  }
0xf: {  	s9 =	simm.s32 $0xC8;
	s7 =	sadd.s32 $0x24C800, s17;
	[sflag:s3] =	ssyncadd.s32 $0xFFFFFFF0  }
0x10: {  	[tilespmem:s9], [sflag:$0x1] =	stream.indirect.gather [hbm4b:s7+s8], $0x40, s2, s8, $0xb8;
	[tilespmem:$0x36D8] =	vst v63  }
0x11: {  	s11 =	simm.s32 $0x60;
	s12 =	simm.s32 $0x1AC8;
	s13 =	simm.s32 $0x10  }
0x12: {  	[tilespmem:s12], [sflag:$0x1] =	stream.indirect.gather [hbm4b:s7+s11], $0x40, s8, s11, $0xb8;
	[tilespmem:$0x36D8] =	vst v63  }
0x13: {  	s14 =	simm.s32 $0x32D8;
	s15 =	simm.s32 $0x1;
	s10 =	sadd.s32 $0x189200, s17  }
0x14: {  	[tilespmem:s14], [sflag:$0x1] =	stream.indirect.gather [hbm4b:s10+s13], $0x40, s6, s13, $0xb8;
	[tilespmem:$0x36D8] =	vst v63  }
0x15: {  	_ =	swait.ge [sflag:s15], $0x1A00  }
0x16: {  	[sflag:s15] =	ssyncset.done $0x0  }
0x17: {  	[sflag:s15] =	ssyncadd.s32 $0xFFFFE600  }
0x18: {  	_ =	swait.ge [sflag:s15], $0x1800  }
0x19: {  	[sflag:s15] =	ssyncset.done $0x0  }
0x1a: {  	s28 =	ssub.s32 $0x2, s16;
	s20 =	smul.u32 $0x640, s18;
	[sflag:s15] =	ssyncadd.s32 $0xFFFFE800  }
0x1b: {  	s29 =	sshrl.u32 s28, $0x1;
	_ =	swait.ge [sflag:s15], $0x400  }
0x1c: {  	s17 =	sadd.s32 s20, s17;
	s20 =	ssub.s32 s28, s29;
	[sflag:s15] =	ssyncset.done $0x0  }
0x1d: {  	s16 =	sadd.s32 $0x2E00, s17;
	s31 =	smax.u32 s20, $0x1;
	[sflag:s15] =	ssyncadd.s32 $0xFFFFFC00  }
0x1e: {  	[hbm4b:s16+s2] =	stream.linear.scatter [tilespmem:s9], [sflag:$0x2], $0x3200, $0x38;
	[tilespmem:$0x36D8] =	vst v63  }
0x1f: {  	p0 =	sne.s32 s31, $0x1;
	_ =	swait.ge [sflag:s3], $0x3200  }
.Ltmp0:
0x20: {  	s30 =	sshll.u32 s18, $0x7;
	[sflag:s3] =	ssyncset.done $0x0;
	(pc) =	sbr.rel @!p0 .LBB2_2-.Ltmp0, $4  }
0x21: {  	s17 =	sadd.s32 s19, s30;
	[sflag:s3] =	ssyncadd.s32 $0xFFFFCE00  }
0x22: {  	[hbm4b:s17+s2] =	stream.linear.scatter [tilespmem:s14], [sflag:$0x2], $0x400, $0x38;
	[tilespmem:$0x36D8] =	vst v63  }
0x23: {  	_ =	swait.ge [sflag:s3], $0x400  }
0x24: {  	s18 =	sadd.s32 $0xFFFFFFFF, s31;
	[sflag:s3] =	ssyncset.done $0x0  }
.LBB2_1:
0x25: {  	p0 =	sne.s32 s18, $0x1;
	s18 =	sadd.s32 $0xFFFFFFFF, s18;
	[sflag:s3] =	ssyncadd.s32 $0xFFFFFC00  }
0x26: {  	[tilespmem:s2], [sflag:$0x2] =	stream.linear.gather [hbm4b:s4+s2], $0xC8, $0x38;
	[tilespmem:$0x36D8] =	vst v63  }
0x27: {  	_ =	swait.ge [sflag:s3], $0xC8  }
0x28: {  	[sflag:s3] =	ssyncset.done $0x0  }
0x29: {  	[sflag:s3] =	ssyncadd.s32 $0xFFFFFF38  }
0x2a: {  	[tilespmem:s6], [sflag:$0x2] =	stream.linear.gather [hbm4b:s5+s2], $0x10, $0x38;
	[tilespmem:$0x36D8] =	vst v63  }
0x2b: {  	_ =	swait.ge [sflag:s3], $0x10  }
0x2c: {  	[sflag:s3] =	ssyncset.done $0x0  }
0x2d: {  	[sflag:s3] =	ssyncadd.s32 $0xFFFFFFF0  }
0x2e: {  	[tilespmem:s9], [sflag:$0x1] =	stream.indirect.gather [hbm4b:s7+s8], $0x40, s2, s8, $0xb8;
	[tilespmem:$0x36D8] =	vst v63  }
0x2f: {  	_ = 	snop  }
0x30: {  	[tilespmem:s12], [sflag:$0x1] =	stream.indirect.gather [hbm4b:s7+s11], $0x40, s8, s11, $0xb8;
	[tilespmem:$0x36D8] =	vst v63  }
0x31: {  	_ = 	snop  }
0x32: {  	[tilespmem:s14], [sflag:$0x1] =	stream.indirect.gather [hbm4b:s10+s13], $0x40, s6, s13, $0xb8;
	[tilespmem:$0x36D8] =	vst v63  }
0x33: {  	_ =	swait.ge [sflag:s15], $0x1A00  }
0x34: {  	[sflag:s15] =	ssyncset.done $0x0  }
0x35: {  	[sflag:s15] =	ssyncadd.s32 $0xFFFFE600  }
0x36: {  	_ =	swait.ge [sflag:s15], $0x1800  }
0x37: {  	[sflag:s15] =	ssyncset.done $0x0  }
0x38: {  	[sflag:s15] =	ssyncadd.s32 $0xFFFFE800  }
0x39: {  	_ =	swait.ge [sflag:s15], $0x400  }
0x3a: {  	[sflag:s15] =	ssyncset.done $0x0  }
0x3b: {  	[sflag:s15] =	ssyncadd.s32 $0xFFFFFC00  }
0x3c: {  	[hbm4b:s16+s2] =	stream.linear.scatter [tilespmem:s9], [sflag:$0x2], $0x3200, $0x38;
	[tilespmem:$0x36D8] =	vst v63  }
0x3d: {  	_ =	swait.ge [sflag:s3], $0x3200  }
.Ltmp1:
0x3e: {  	[sflag:s3] =	ssyncset.done $0x0;
	(pc) =	sbr.rel @p0 .LBB2_1-.Ltmp1, $4  }
0x3f: {  	[sflag:s3] =	ssyncadd.s32 $0xFFFFCE00  }
0x40: {  	[hbm4b:s17+s2] =	stream.linear.scatter [tilespmem:s14], [sflag:$0x2], $0x400, $0x38;
	[tilespmem:$0x36D8] =	vst v63  }
0x41: {  	_ =	swait.ge [sflag:s3], $0x400  }
0x42: {  	[sflag:s3] =	ssyncset.done $0x0  }
.LBB2_2:
0x43: {  	[sflag:s3] =	ssyncadd.s32 $0xFFFFFC00  }
0x44: {  	_ =	sfence.sel $0x180000  }
0x45: {  	[bflag:$0x0] =	sbarrier.arrive $0xFFFF  }
0x46: {  	p0 =	sne.s32 s0, $0x0;
	_ =	strace $0x90000047  }
0x47: {  	s0 =	sadd.s32 @!p0 $0x100000, s1;
	[bflag:$0x2] =	sbarrier.arrive $0xFFFF  }
0x48: {  	[sflag:s0] =	ssyncadd.tile.s32 @!p0 $0x1;
	_ =	shalt  }
.Lfunc_end2:
_tile_overlayer_lowered:
.L_overlay_start_2:
0x49: {  	(tag) =	ssettag $0x2  }
0x4a: {  	s0 =	rddreg [dreg:$0x0];
	s2 =	stileid.u32  }
0x4b: {  	s1 =	rddreg [dreg:$0x1];
	p0 =	sne.s32 s2, $0x0  }
0x4c: {  	s3 =	rddreg [dreg:$0x2];
	[bflag:$0x3] =	sbarrier.arrive $0xFFFF;
	s2 =	simm.s32 @!p0 $0x1C02  }
0x4d: {  	[timem:s3], [sflag:s2] =	dma.local @!p0 [hbm:s0], s1  }
0x4e: {  	s0 =	simm.s32 @!p0 $0x2  }
0x4f: {  	_ =	swait.ge @!p0 [sflag:s0], s1  }
0x50: {  	s1 =	ssub.s32 @!p0 $0x0, s1;
	[sflag:s0] =	ssyncset.done @!p0 $0x0  }
0x51: {  	[sflag:s0] =	ssyncadd.s32 @!p0 s1  }
0x52: {  	[bflag:$0x3] =	sbarrier.arrive $0xFFFF  }
0x53: {  	_ =	shalt  }

</sc_bundles>
